<compile_context>
chip_gen: v7x
topology: tpu7x:2x2x1
jax: 0.10.2.dev20260603
libtpu: 0.0.44.dev20260713+nightly
codegen_flags: <defaults>
</compile_context>

<pallas_src>
import functools

import jax
import jax.numpy as jnp
from jax import lax
from jax.experimental import pallas as pl
from jax.experimental.pallas import tpu as pltpu
from jax.experimental.pallas import tpu_sc as plsc

_N_E = 8192
_E_DIM = 64
_BETA = 0.25
_N_ROWS = 18432
_R = 2048
_CCH = 2048
_NCH = _N_E // _CCH
_NT = _N_ROWS // _R


def _argmin_body(x_ref, xn_ref, c_ref, cn_ref, idx_ref, loss_ref, acc_ref):
    i = pl.program_id(0)
    xb = x_ref[...]
    xn = xn_ref[...]
    mv = jnp.full((_R, 1), jnp.inf, jnp.float32)
    mi = jnp.zeros((_R, 1), jnp.int32)
    for k in range(_NCH):
        cb = c_ref[k * _CCH:(k + 1) * _CCH, :]
        cnb = cn_ref[:, k * _CCH:(k + 1) * _CCH]
        xy = lax.dot_general(xb, cb, (((1,), (1,)), ((), ())),
                             preferred_element_type=jnp.float32)
        d = (xn + cnb) - 2.0 * xy
        cmin = jnp.min(d, axis=1, keepdims=True)
        ids = lax.broadcasted_iota(jnp.int32, (_R, _CCH), 1)
        lidx = jnp.min(jnp.where(d == cmin, ids, _CCH), axis=1, keepdims=True)
        gidx = lidx + k * _CCH
        better = cmin < mv
        mv = jnp.where(better, cmin, mv)
        mi = jnp.where(better, gidx, mi)
    idx_ref[...] = mi
    part = jnp.sum(mv)

    @pl.when(i == 0)
    def _():
        acc_ref[0, 0] = part

    @pl.when(i > 0)
    def _():
        acc_ref[0, 0] = acc_ref[0, 0] + part

    @pl.when(i == _NT - 1)
    def _():
        m = acc_ref[0, 0] / jnp.float32(_N_ROWS * _E_DIM)
        loss_ref[...] = jnp.full((1, 1), m + jnp.float32(_BETA) * m, jnp.float32)


def _distance_argmin(latent, x_norm, centroids, c_norm):
    return pl.pallas_call(
        _argmin_body,
        grid=(_NT,),
        in_specs=[
            pl.BlockSpec((_R, _E_DIM), lambda i: (i, 0)),
            pl.BlockSpec((_R, 1), lambda i: (i, 0)),
            pl.BlockSpec((_N_E, _E_DIM), lambda i: (0, 0)),
            pl.BlockSpec((1, _N_E), lambda i: (0, 0)),
        ],
        out_specs=[
            pl.BlockSpec((_R, 1), lambda i: (i, 0)),
            pl.BlockSpec((1, 1), lambda i: (0, 0)),
        ],
        out_shape=[
            jax.ShapeDtypeStruct((_N_ROWS, 1), jnp.int32),
            jax.ShapeDtypeStruct((1, 1), jnp.float32),
        ],
        scratch_shapes=[pltpu.SMEM((1, 1), jnp.float32)],
    )(latent, x_norm, centroids, c_norm)


_NW = 32
_BPW = _N_ROWS // _NW
_GCH = 96
_NG = _BPW // _GCH


def _make_gather_ste():
    mesh = plsc.VectorSubcoreMesh(core_axis_name="c", subcore_axis_name="s")

    @functools.partial(
        pl.kernel,
        mesh=mesh,
        out_type=jax.ShapeDtypeStruct((_N_ROWS * _E_DIM,), jnp.float32),
        scratch_types=[
            pltpu.VMEM((_BPW,), jnp.int32),
            pltpu.VMEM((_NG, _GCH, 128), jnp.float32),
            pltpu.VMEM((_BPW * _E_DIM,), jnp.float32),
            pltpu.SemaphoreType.DMA,
        ],
    )
    def gather_ste(cent_hbm, idx_hbm, x_hbm, out_hbm, idx_v, q_v, x_v, sem):
        wid = lax.axis_index("s") * 2 + lax.axis_index("c")
        base = wid * (_BPW * _E_DIM)
        pltpu.sync_copy(idx_hbm.at[pl.ds(wid * _BPW, _BPW)], idx_v)
        pltpu.sync_copy(x_hbm.at[pl.ds(base, _BPW * _E_DIM)], x_v)
        for g in range(_NG):
            pltpu.async_copy(
                cent_hbm.at[idx_v.at[pl.ds(g * _GCH, _GCH)]],
                q_v.at[g],
                sem,
            ).wait()

        def row(r, carry):
            for t in range(_E_DIM // 16):
                xq = q_v[r // _GCH, r % _GCH, pl.ds(t * 16, 16)]
                xx = x_v[pl.ds(r * _E_DIM + t * 16, 16)]
                x_v[pl.ds(r * _E_DIM + t * 16, 16)] = xx + (xq - xx)
            return carry

        lax.fori_loop(0, _BPW, row, 0)
        pltpu.sync_copy(x_v, out_hbm.at[pl.ds(base, _BPW * _E_DIM)])

    return gather_ste


def kernel(x, centroids):
    latent = x.reshape(-1, _E_DIM)
    x_norm = jnp.sum(latent ** 2, axis=1, keepdims=True)
    c_norm = jnp.sum(centroids ** 2, axis=1, keepdims=True)
    idx2, loss2 = _distance_argmin(latent, x_norm, centroids, c_norm.reshape(1, _N_E))
    indices = idx2.reshape(-1)
    cent_pad = jnp.pad(centroids, ((0, 0), (0, 128 - _E_DIM)))
    x_q_ste = _make_gather_ste()(cent_pad, indices, latent.reshape(-1)).reshape(x.shape)
    loss = loss2.reshape(())
    indices_out = indices.reshape(x.shape[:-1])
    return (x_q_ste, loss, indices_out)

# --- scband reference (transcript-rebuilt; emitter-appended) ---
"""Pipeline reference for scband-rkmeans-vector-quantizer-54107997995399 (READ-ONLY COPY).

The authoritative reference and input builder live on the scoring server;
editing this copy changes nothing except your own understanding.
"""

import jax, jax.numpy as jnp
import numpy as np

N_E = 8192
E_DIM = 64
BETA = 0.25

def setup_inputs(seed: int = 0) -> dict:
    key = jax.random.key(seed)
    k1, k2 = jax.random.split(key)
    x = jax.random.normal(k1, (32, 576, E_DIM), dtype=jnp.float32)
    # kmeans_init=False path: centroids uniform in (-1/n_e, 1/n_e)
    centroids = jax.random.uniform(k2, (N_E, E_DIM), dtype=jnp.float32, minval=-1.0 / N_E, maxval=1.0 / N_E)
    return {"x": x, "centroids": centroids}

def reference(x, centroids):
    # eval-mode forward: no buffering, no minibatch centroid update
    latent = x.reshape(-1, E_DIM)
    x_norm = jnp.sum(latent ** 2, axis=1, keepdims=True)
    c_norm = jnp.sum(centroids ** 2, axis=1, keepdims=True)
    xy = latent @ centroids.T
    distances = x_norm + c_norm.T - 2.0 * xy
    indices = jnp.argmin(distances, axis=-1)
    x_q = jnp.take(centroids, indices, axis=0).reshape(x.shape)
    commitment_loss = jnp.mean((jax.lax.stop_gradient(x_q) - x) ** 2)
    codebook_loss = jnp.mean((x_q - jax.lax.stop_gradient(x)) ** 2)
    loss = codebook_loss + BETA * commitment_loss
    x_q_ste = x + jax.lax.stop_gradient(x_q - x)
    indices_out = indices.reshape(x.shape[:-1])
    return (x_q_ste, loss, indices_out)

if __name__ == "__main__":
    import jax
    _d = setup_inputs()
    print(jax.jit(kernel)(*tuple(_d.values())))

</pallas_src>

<mosaic_0001>
#map = affine_map<(d0, d1) -> (0, 0)>
#map1 = affine_map<(d0, d1) -> (0)>
module attributes {stable_mosaic.version = 14 : i64} {
  func.func @gather_ste(%arg0: i32, %arg1: i32, %arg2: memref<8192x128xf32, #tpu.memory_space<hbm>>, %arg3: memref<18432xi32, #tpu.memory_space<hbm>>, %arg4: memref<1179648xf32, #tpu.memory_space<hbm>>, %arg5: memref<1179648xf32, #tpu.memory_space<hbm>>, %arg6: memref<576xi32, #tpu.memory_space<vmem>>, %arg7: memref<6x96x128xf32, #tpu.memory_space<vmem>>, %arg8: memref<36864xf32, #tpu.memory_space<vmem>>, %arg9: memref<!tpu.dma_semaphore, #tpu.memory_space<semaphore_mem>>) attributes {dimension_semantics = [#tpu.dimension_semantics<core_parallel>, #tpu.dimension_semantics<subcore_parallel>], iteration_bounds = array<i64: 2, 16>, scalar_prefetch = 0 : i64, scratch_operands = 4 : i64, tpu.core_type = #tpu.core_type<sc_vector_subcore>, window_params = [{transform_indices = #map}, {transform_indices = #map1}, {transform_indices = #map1}, {transform_indices = #map1}]} {
    %mul3A = arith.constant 2 : i32
    %mul3A_0 = arith.muli %arg1, %mul3A : i32
    %add3A = arith.addi %mul3A_0, %arg0 : i32
    %mul3A_1 = arith.constant 36864 : i32
    %mul3A_2 = arith.muli %add3A, %mul3A_1 : i32
    %mul3A_3 = arith.constant 576 : i32
    %mul3A_4 = arith.muli %add3A, %mul3A_3 : i32
    "tpu.region"() ({
      %run_scoped3A = tpu.sem_alloc : memref<!tpu.dma_semaphore, #tpu.memory_space<semaphore_mem>>
      %dma_start3A_128 = tpu.memref_slice %arg3[%mul3A_4] : memref<18432xi32, #tpu.memory_space<hbm>> -> memref<576xi32, #tpu.memory_space<hbm>>
      %dma_start3A_129 = tpu.memref_slice %arg3[%mul3A_4] : memref<18432xi32, #tpu.memory_space<hbm>> -> memref<576xi32, #tpu.memory_space<hbm>>
      tpu.enqueue_dma source(%dma_start3A_129 : memref<576xi32, #tpu.memory_space<hbm>>) target(%arg6 : memref<576xi32, #tpu.memory_space<vmem>>) target_semaphore(%run_scoped3A : memref<!tpu.dma_semaphore, #tpu.memory_space<semaphore_mem>>)
      %dma_wait3A_130 = tpu.memref_slice %arg3[%mul3A_4] : memref<18432xi32, #tpu.memory_space<hbm>> -> memref<576xi32, #tpu.memory_space<hbm>>
      %dma_wait3A_131 = tpu.memref_slice %arg3[%mul3A_4] : memref<18432xi32, #tpu.memory_space<hbm>> -> memref<576xi32, #tpu.memory_space<hbm>>
      tpu.wait_dma2 semaphore(%run_scoped3A : memref<!tpu.dma_semaphore, #tpu.memory_space<semaphore_mem>>) src(%dma_wait3A_131 : memref<576xi32, #tpu.memory_space<hbm>>) dst(%arg6 : memref<576xi32, #tpu.memory_space<vmem>>)
      tpu.yield
    }) : () -> ()
    "tpu.region"() ({
      %run_scoped3A = tpu.sem_alloc : memref<!tpu.dma_semaphore, #tpu.memory_space<semaphore_mem>>
      %dma_start3A_128 = tpu.memref_slice %arg4[%mul3A_2] : memref<1179648xf32, #tpu.memory_space<hbm>> -> memref<36864xf32, #tpu.memory_space<hbm>>
      %dma_start3A_129 = tpu.memref_slice %arg4[%mul3A_2] : memref<1179648xf32, #tpu.memory_space<hbm>> -> memref<36864xf32, #tpu.memory_space<hbm>>
      tpu.enqueue_dma source(%dma_start3A_129 : memref<36864xf32, #tpu.memory_space<hbm>>) target(%arg8 : memref<36864xf32, #tpu.memory_space<vmem>>) target_semaphore(%run_scoped3A : memref<!tpu.dma_semaphore, #tpu.memory_space<semaphore_mem>>)
      %dma_wait3A_130 = tpu.memref_slice %arg4[%mul3A_2] : memref<1179648xf32, #tpu.memory_space<hbm>> -> memref<36864xf32, #tpu.memory_space<hbm>>
      %dma_wait3A_131 = tpu.memref_slice %arg4[%mul3A_2] : memref<1179648xf32, #tpu.memory_space<hbm>> -> memref<36864xf32, #tpu.memory_space<hbm>>
      tpu.wait_dma2 semaphore(%run_scoped3A : memref<!tpu.dma_semaphore, #tpu.memory_space<semaphore_mem>>) src(%dma_wait3A_131 : memref<36864xf32, #tpu.memory_space<hbm>>) dst(%arg8 : memref<36864xf32, #tpu.memory_space<vmem>>)
      tpu.yield
    }) : () -> ()
    %dma_start3A = arith.constant 0 : i32
    %dma_start3A_5 = arith.constant 0 : i32
    %dma_start3A_6 = arith.constant 0 : i32
    %dma_start3A_7 = tpu.memref_slice %arg7[%dma_start3A, %dma_start3A_5, %dma_start3A_6] : memref<6x96x128xf32, #tpu.memory_space<vmem>> -> memref<1x96x128xf32, #tpu.memory_space<vmem>>
    %dma_start3A_8 = tpu.memref_squeeze %dma_start3A_7 : memref<1x96x128xf32, #tpu.memory_space<vmem>> -> memref<96x128xf32, #tpu.memory_space<vmem>>
    %dma_start3A_9 = arith.constant 0 : i32
    %dma_start3A_10 = tpu.memref_slice %arg6[%dma_start3A_9] : memref<576xi32, #tpu.memory_space<vmem>> -> memref<96xi32, #tpu.memory_space<vmem>>
    %dma_start3A_11 = arith.constant 0 : i32
    %dma_start3A_12 = arith.constant 0 : i32
    %dma_start3A_13 = tpu.memref_slice %arg2[%dma_start3A_11, %dma_start3A_12] : memref<8192x128xf32, #tpu.memory_space<hbm>> -> memref<8192x128xf32, #tpu.memory_space<hbm>>
    tpu.enqueue_indirect_dma source(%dma_start3A_13 : memref<8192x128xf32, #tpu.memory_space<hbm>>) target(%dma_start3A_8 : memref<96x128xf32, #tpu.memory_space<vmem>>) offsets(%dma_start3A_10 : memref<96xi32, #tpu.memory_space<vmem>>) semaphore(%arg9 : memref<!tpu.dma_semaphore, #tpu.memory_space<semaphore_mem>>)
    %dma_wait3A = arith.constant 0 : i32
    %dma_wait3A_14 = arith.constant 0 : i32
    %dma_wait3A_15 = arith.constant 0 : i32
    %dma_wait3A_16 = tpu.memref_slice %arg7[%dma_wait3A, %dma_wait3A_14, %dma_wait3A_15] : memref<6x96x128xf32, #tpu.memory_space<vmem>> -> memref<1x96x128xf32, #tpu.memory_space<vmem>>
    %dma_wait3A_17 = tpu.memref_squeeze %dma_wait3A_16 : memref<1x96x128xf32, #tpu.memory_space<vmem>> -> memref<96x128xf32, #tpu.memory_space<vmem>>
    %dma_wait3A_18 = arith.constant 0 : i32
    %dma_wait3A_19 = tpu.memref_slice %arg6[%dma_wait3A_18] : memref<576xi32, #tpu.memory_space<vmem>> -> memref<96xi32, #tpu.memory_space<vmem>>
    %dma_wait3A_20 = arith.constant 0 : i32
    %dma_wait3A_21 = arith.constant 0 : i32
    %dma_wait3A_22 = tpu.memref_slice %arg2[%dma_wait3A_20, %dma_wait3A_21] : memref<8192x128xf32, #tpu.memory_space<hbm>> -> memref<8192x128xf32, #tpu.memory_space<hbm>>
    tpu.wait_indirect_dma semaphore(%arg9 : memref<!tpu.dma_semaphore, #tpu.memory_space<semaphore_mem>>) src(%dma_wait3A_22 : memref<8192x128xf32, #tpu.memory_space<hbm>>) dst(%dma_wait3A_17 : memref<96x128xf32, #tpu.memory_space<vmem>>)
    %dma_start3A_23 = arith.constant 1 : i32
    %dma_start3A_24 = arith.constant 0 : i32
    %dma_start3A_25 = arith.constant 0 : i32
    %dma_start3A_26 = tpu.memref_slice %arg7[%dma_start3A_23, %dma_start3A_24, %dma_start3A_25] : memref<6x96x128xf32, #tpu.memory_space<vmem>> -> memref<1x96x128xf32, #tpu.memory_space<vmem>>
    %dma_start3A_27 = tpu.memref_squeeze %dma_start3A_26 : memref<1x96x128xf32, #tpu.memory_space<vmem>> -> memref<96x128xf32, #tpu.memory_space<vmem>>
    %dma_start3A_28 = arith.constant 96 : i32
    %dma_start3A_29 = tpu.memref_slice %arg6[%dma_start3A_28] : memref<576xi32, #tpu.memory_space<vmem>> -> memref<96xi32, #tpu.memory_space<vmem>>
    %dma_start3A_30 = arith.constant 0 : i32
    %dma_start3A_31 = arith.constant 0 : i32
    %dma_start3A_32 = tpu.memref_slice %arg2[%dma_start3A_30, %dma_start3A_31] : memref<8192x128xf32, #tpu.memory_space<hbm>> -> memref<8192x128xf32, #tpu.memory_space<hbm>>
    tpu.enqueue_indirect_dma source(%dma_start3A_32 : memref<8192x128xf32, #tpu.memory_space<hbm>>) target(%dma_start3A_27 : memref<96x128xf32, #tpu.memory_space<vmem>>) offsets(%dma_start3A_29 : memref<96xi32, #tpu.memory_space<vmem>>) semaphore(%arg9 : memref<!tpu.dma_semaphore, #tpu.memory_space<semaphore_mem>>)
    %dma_wait3A_33 = arith.constant 1 : i32
    %dma_wait3A_34 = arith.constant 0 : i32
    %dma_wait3A_35 = arith.constant 0 : i32
    %dma_wait3A_36 = tpu.memref_slice %arg7[%dma_wait3A_33, %dma_wait3A_34, %dma_wait3A_35] : memref<6x96x128xf32, #tpu.memory_space<vmem>> -> memref<1x96x128xf32, #tpu.memory_space<vmem>>
    %dma_wait3A_37 = tpu.memref_squeeze %dma_wait3A_36 : memref<1x96x128xf32, #tpu.memory_space<vmem>> -> memref<96x128xf32, #tpu.memory_space<vmem>>
    %dma_wait3A_38 = arith.constant 96 : i32
    %dma_wait3A_39 = tpu.memref_slice %arg6[%dma_wait3A_38] : memref<576xi32, #tpu.memory_space<vmem>> -> memref<96xi32, #tpu.memory_space<vmem>>
    %dma_wait3A_40 = arith.constant 0 : i32
    %dma_wait3A_41 = arith.constant 0 : i32
    %dma_wait3A_42 = tpu.memref_slice %arg2[%dma_wait3A_40, %dma_wait3A_41] : memref<8192x128xf32, #tpu.memory_space<hbm>> -> memref<8192x128xf32, #tpu.memory_space<hbm>>
    tpu.wait_indirect_dma semaphore(%arg9 : memref<!tpu.dma_semaphore, #tpu.memory_space<semaphore_mem>>) src(%dma_wait3A_42 : memref<8192x128xf32, #tpu.memory_space<hbm>>) dst(%dma_wait3A_37 : memref<96x128xf32, #tpu.memory_space<vmem>>)
    %dma_start3A_43 = arith.constant 2 : i32
    %dma_start3A_44 = arith.constant 0 : i32
    %dma_start3A_45 = arith.constant 0 : i32
    %dma_start3A_46 = tpu.memref_slice %arg7[%dma_start3A_43, %dma_start3A_44, %dma_start3A_45] : memref<6x96x128xf32, #tpu.memory_space<vmem>> -> memref<1x96x128xf32, #tpu.memory_space<vmem>>
    %dma_start3A_47 = tpu.memref_squeeze %dma_start3A_46 : memref<1x96x128xf32, #tpu.memory_space<vmem>> -> memref<96x128xf32, #tpu.memory_space<vmem>>
    %dma_start3A_48 = arith.constant 192 : i32
    %dma_start3A_49 = tpu.memref_slice %arg6[%dma_start3A_48] : memref<576xi32, #tpu.memory_space<vmem>> -> memref<96xi32, #tpu.memory_space<vmem>>
    %dma_start3A_50 = arith.constant 0 : i32
    %dma_start3A_51 = arith.constant 0 : i32
    %dma_start3A_52 = tpu.memref_slice %arg2[%dma_start3A_50, %dma_start3A_51] : memref<8192x128xf32, #tpu.memory_space<hbm>> -> memref<8192x128xf32, #tpu.memory_space<hbm>>
    tpu.enqueue_indirect_dma source(%dma_start3A_52 : memref<8192x128xf32, #tpu.memory_space<hbm>>) target(%dma_start3A_47 : memref<96x128xf32, #tpu.memory_space<vmem>>) offsets(%dma_start3A_49 : memref<96xi32, #tpu.memory_space<vmem>>) semaphore(%arg9 : memref<!tpu.dma_semaphore, #tpu.memory_space<semaphore_mem>>)
    %dma_wait3A_53 = arith.constant 2 : i32
    %dma_wait3A_54 = arith.constant 0 : i32
    %dma_wait3A_55 = arith.constant 0 : i32
    %dma_wait3A_56 = tpu.memref_slice %arg7[%dma_wait3A_53, %dma_wait3A_54, %dma_wait3A_55] : memref<6x96x128xf32, #tpu.memory_space<vmem>> -> memref<1x96x128xf32, #tpu.memory_space<vmem>>
    %dma_wait3A_57 = tpu.memref_squeeze %dma_wait3A_56 : memref<1x96x128xf32, #tpu.memory_space<vmem>> -> memref<96x128xf32, #tpu.memory_space<vmem>>
    %dma_wait3A_58 = arith.constant 192 : i32
    %dma_wait3A_59 = tpu.memref_slice %arg6[%dma_wait3A_58] : memref<576xi32, #tpu.memory_space<vmem>> -> memref<96xi32, #tpu.memory_space<vmem>>
    %dma_wait3A_60 = arith.constant 0 : i32
    %dma_wait3A_61 = arith.constant 0 : i32
    %dma_wait3A_62 = tpu.memref_slice %arg2[%dma_wait3A_60, %dma_wait3A_61] : memref<8192x128xf32, #tpu.memory_space<hbm>> -> memref<8192x128xf32, #tpu.memory_space<hbm>>
    tpu.wait_indirect_dma semaphore(%arg9 : memref<!tpu.dma_semaphore, #tpu.memory_space<semaphore_mem>>) src(%dma_wait3A_62 : memref<8192x128xf32, #tpu.memory_space<hbm>>) dst(%dma_wait3A_57 : memref<96x128xf32, #tpu.memory_space<vmem>>)
    %dma_start3A_63 = arith.constant 3 : i32
    %dma_start3A_64 = arith.constant 0 : i32
    %dma_start3A_65 = arith.constant 0 : i32
    %dma_start3A_66 = tpu.memref_slice %arg7[%dma_start3A_63, %dma_start3A_64, %dma_start3A_65] : memref<6x96x128xf32, #tpu.memory_space<vmem>> -> memref<1x96x128xf32, #tpu.memory_space<vmem>>
    %dma_start3A_67 = tpu.memref_squeeze %dma_start3A_66 : memref<1x96x128xf32, #tpu.memory_space<vmem>> -> memref<96x128xf32, #tpu.memory_space<vmem>>
    %dma_start3A_68 = arith.constant 288 : i32
    %dma_start3A_69 = tpu.memref_slice %arg6[%dma_start3A_68] : memref<576xi32, #tpu.memory_space<vmem>> -> memref<96xi32, #tpu.memory_space<vmem>>
    %dma_start3A_70 = arith.constant 0 : i32
    %dma_start3A_71 = arith.constant 0 : i32
    %dma_start3A_72 = tpu.memref_slice %arg2[%dma_start3A_70, %dma_start3A_71] : memref<8192x128xf32, #tpu.memory_space<hbm>> -> memref<8192x128xf32, #tpu.memory_space<hbm>>
    tpu.enqueue_indirect_dma source(%dma_start3A_72 : memref<8192x128xf32, #tpu.memory_space<hbm>>) target(%dma_start3A_67 : memref<96x128xf32, #tpu.memory_space<vmem>>) offsets(%dma_start3A_69 : memref<96xi32, #tpu.memory_space<vmem>>) semaphore(%arg9 : memref<!tpu.dma_semaphore, #tpu.memory_space<semaphore_mem>>)
    %dma_wait3A_73 = arith.constant 3 : i32
    %dma_wait3A_74 = arith.constant 0 : i32
    %dma_wait3A_75 = arith.constant 0 : i32
    %dma_wait3A_76 = tpu.memref_slice %arg7[%dma_wait3A_73, %dma_wait3A_74, %dma_wait3A_75] : memref<6x96x128xf32, #tpu.memory_space<vmem>> -> memref<1x96x128xf32, #tpu.memory_space<vmem>>
    %dma_wait3A_77 = tpu.memref_squeeze %dma_wait3A_76 : memref<1x96x128xf32, #tpu.memory_space<vmem>> -> memref<96x128xf32, #tpu.memory_space<vmem>>
    %dma_wait3A_78 = arith.constant 288 : i32
    %dma_wait3A_79 = tpu.memref_slice %arg6[%dma_wait3A_78] : memref<576xi32, #tpu.memory_space<vmem>> -> memref<96xi32, #tpu.memory_space<vmem>>
    %dma_wait3A_80 = arith.constant 0 : i32
    %dma_wait3A_81 = arith.constant 0 : i32
    %dma_wait3A_82 = tpu.memref_slice %arg2[%dma_wait3A_80, %dma_wait3A_81] : memref<8192x128xf32, #tpu.memory_space<hbm>> -> memref<8192x128xf32, #tpu.memory_space<hbm>>
    tpu.wait_indirect_dma semaphore(%arg9 : memref<!tpu.dma_semaphore, #tpu.memory_space<semaphore_mem>>) src(%dma_wait3A_82 : memref<8192x128xf32, #tpu.memory_space<hbm>>) dst(%dma_wait3A_77 : memref<96x128xf32, #tpu.memory_space<vmem>>)
    %dma_start3A_83 = arith.constant 4 : i32
    %dma_start3A_84 = arith.constant 0 : i32
    %dma_start3A_85 = arith.constant 0 : i32
    %dma_start3A_86 = tpu.memref_slice %arg7[%dma_start3A_83, %dma_start3A_84, %dma_start3A_85] : memref<6x96x128xf32, #tpu.memory_space<vmem>> -> memref<1x96x128xf32, #tpu.memory_space<vmem>>
    %dma_start3A_87 = tpu.memref_squeeze %dma_start3A_86 : memref<1x96x128xf32, #tpu.memory_space<vmem>> -> memref<96x128xf32, #tpu.memory_space<vmem>>
    %dma_start3A_88 = arith.constant 384 : i32
    %dma_start3A_89 = tpu.memref_slice %arg6[%dma_start3A_88] : memref<576xi32, #tpu.memory_space<vmem>> -> memref<96xi32, #tpu.memory_space<vmem>>
    %dma_start3A_90 = arith.constant 0 : i32
    %dma_start3A_91 = arith.constant 0 : i32
    %dma_start3A_92 = tpu.memref_slice %arg2[%dma_start3A_90, %dma_start3A_91] : memref<8192x128xf32, #tpu.memory_space<hbm>> -> memref<8192x128xf32, #tpu.memory_space<hbm>>
    tpu.enqueue_indirect_dma source(%dma_start3A_92 : memref<8192x128xf32, #tpu.memory_space<hbm>>) target(%dma_start3A_87 : memref<96x128xf32, #tpu.memory_space<vmem>>) offsets(%dma_start3A_89 : memref<96xi32, #tpu.memory_space<vmem>>) semaphore(%arg9 : memref<!tpu.dma_semaphore, #tpu.memory_space<semaphore_mem>>)
    %dma_wait3A_93 = arith.constant 4 : i32
    %dma_wait3A_94 = arith.constant 0 : i32
    %dma_wait3A_95 = arith.constant 0 : i32
    %dma_wait3A_96 = tpu.memref_slice %arg7[%dma_wait3A_93, %dma_wait3A_94, %dma_wait3A_95] : memref<6x96x128xf32, #tpu.memory_space<vmem>> -> memref<1x96x128xf32, #tpu.memory_space<vmem>>
    %dma_wait3A_97 = tpu.memref_squeeze %dma_wait3A_96 : memref<1x96x128xf32, #tpu.memory_space<vmem>> -> memref<96x128xf32, #tpu.memory_space<vmem>>
    %dma_wait3A_98 = arith.constant 384 : i32
    %dma_wait3A_99 = tpu.memref_slice %arg6[%dma_wait3A_98] : memref<576xi32, #tpu.memory_space<vmem>> -> memref<96xi32, #tpu.memory_space<vmem>>
    %dma_wait3A_100 = arith.constant 0 : i32
    %dma_wait3A_101 = arith.constant 0 : i32
    %dma_wait3A_102 = tpu.memref_slice %arg2[%dma_wait3A_100, %dma_wait3A_101] : memref<8192x128xf32, #tpu.memory_space<hbm>> -> memref<8192x128xf32, #tpu.memory_space<hbm>>
    tpu.wait_indirect_dma semaphore(%arg9 : memref<!tpu.dma_semaphore, #tpu.memory_space<semaphore_mem>>) src(%dma_wait3A_102 : memref<8192x128xf32, #tpu.memory_space<hbm>>) dst(%dma_wait3A_97 : memref<96x128xf32, #tpu.memory_space<vmem>>)
    %dma_start3A_103 = arith.constant 5 : i32
    %dma_start3A_104 = arith.constant 0 : i32
    %dma_start3A_105 = arith.constant 0 : i32
    %dma_start3A_106 = tpu.memref_slice %arg7[%dma_start3A_103, %dma_start3A_104, %dma_start3A_105] : memref<6x96x128xf32, #tpu.memory_space<vmem>> -> memref<1x96x128xf32, #tpu.memory_space<vmem>>
    %dma_start3A_107 = tpu.memref_squeeze %dma_start3A_106 : memref<1x96x128xf32, #tpu.memory_space<vmem>> -> memref<96x128xf32, #tpu.memory_space<vmem>>
    %dma_start3A_108 = arith.constant 480 : i32
    %dma_start3A_109 = tpu.memref_slice %arg6[%dma_start3A_108] : memref<576xi32, #tpu.memory_space<vmem>> -> memref<96xi32, #tpu.memory_space<vmem>>
    %dma_start3A_110 = arith.constant 0 : i32
    %dma_start3A_111 = arith.constant 0 : i32
    %dma_start3A_112 = tpu.memref_slice %arg2[%dma_start3A_110, %dma_start3A_111] : memref<8192x128xf32, #tpu.memory_space<hbm>> -> memref<8192x128xf32, #tpu.memory_space<hbm>>
    tpu.enqueue_indirect_dma source(%dma_start3A_112 : memref<8192x128xf32, #tpu.memory_space<hbm>>) target(%dma_start3A_107 : memref<96x128xf32, #tpu.memory_space<vmem>>) offsets(%dma_start3A_109 : memref<96xi32, #tpu.memory_space<vmem>>) semaphore(%arg9 : memref<!tpu.dma_semaphore, #tpu.memory_space<semaphore_mem>>)
    %dma_wait3A_113 = arith.constant 5 : i32
    %dma_wait3A_114 = arith.constant 0 : i32
    %dma_wait3A_115 = arith.constant 0 : i32
    %dma_wait3A_116 = tpu.memref_slice %arg7[%dma_wait3A_113, %dma_wait3A_114, %dma_wait3A_115] : memref<6x96x128xf32, #tpu.memory_space<vmem>> -> memref<1x96x128xf32, #tpu.memory_space<vmem>>
    %dma_wait3A_117 = tpu.memref_squeeze %dma_wait3A_116 : memref<1x96x128xf32, #tpu.memory_space<vmem>> -> memref<96x128xf32, #tpu.memory_space<vmem>>
    %dma_wait3A_118 = arith.constant 480 : i32
    %dma_wait3A_119 = tpu.memref_slice %arg6[%dma_wait3A_118] : memref<576xi32, #tpu.memory_space<vmem>> -> memref<96xi32, #tpu.memory_space<vmem>>
    %dma_wait3A_120 = arith.constant 0 : i32
    %dma_wait3A_121 = arith.constant 0 : i32
    %dma_wait3A_122 = tpu.memref_slice %arg2[%dma_wait3A_120, %dma_wait3A_121] : memref<8192x128xf32, #tpu.memory_space<hbm>> -> memref<8192x128xf32, #tpu.memory_space<hbm>>
    tpu.wait_indirect_dma semaphore(%arg9 : memref<!tpu.dma_semaphore, #tpu.memory_space<semaphore_mem>>) src(%dma_wait3A_122 : memref<8192x128xf32, #tpu.memory_space<hbm>>) dst(%dma_wait3A_117 : memref<96x128xf32, #tpu.memory_space<vmem>>)
    %scan3A = arith.constant 0 : i32
    %scan3A_123 = arith.constant 0 : i32
    %scan3A_124 = arith.constant 576 : i32
    %scan3A_125 = arith.addi %scan3A_123, %scan3A_124 : i32
    %scan3A_126 = arith.constant 1 : i32
    scf.for %scan3A_128 = %scan3A_123 to %scan3A_125 step %scan3A_126  : i32 {
      %jit3A = arith.constant 96 : i32
      %div3A = arith.divsi %scan3A_128, %jit3A : i32
      %sign3A = arith.constant 0 : i32
      %sign3A_129 = arith.cmpi sgt, %scan3A_128, %sign3A : i32
      %sign3A_130 = arith.extui %sign3A_129 : i1 to i32
      %sign3A_131 = arith.constant 0 : i32
      %sign3A_132 = arith.cmpi slt, %scan3A_128, %sign3A_131 : i32
      %sign3A_133 = arith.extui %sign3A_132 : i1 to i32
      %sign3A_134 = arith.subi %sign3A_130, %sign3A_133 : i32
      %sign3A_135 = arith.constant 0 : i32
      %sign3A_136 = arith.cmpi sgt, %jit3A, %sign3A_135 : i32
      %sign3A_137 = arith.extui %sign3A_136 : i1 to i32
      %sign3A_138 = arith.constant 0 : i32
      %sign3A_139 = arith.cmpi slt, %jit3A, %sign3A_138 : i32
      %sign3A_140 = arith.extui %sign3A_139 : i1 to i32
      %sign3A_141 = arith.subi %sign3A_137, %sign3A_140 : i32
      %ne3A = arith.cmpi ne, %sign3A_134, %sign3A_141 : i32
      %rem3A = arith.remsi %scan3A_128, %jit3A : i32
      %ne3A_142 = arith.constant 0 : i32
      %ne3A_143 = arith.cmpi ne, %rem3A, %ne3A_142 : i32
      %and3A = arith.andi %ne3A, %ne3A_143 : i1
      %sub3A = arith.constant 1 : i32
      %sub3A_144 = arith.subi %div3A, %sub3A : i32
      %select_n3A = arith.select %and3A, %sub3A_144, %div3A : i32
      %jit3A_145 = arith.constant 96 : i32
      %eq3A = arith.constant 0 : i32
      %eq3A_146 = arith.cmpi eq, %jit3A_145, %eq3A : i32
      %jit3A_147 = arith.constant 1 : i32
      %select_n3A_148 = arith.select %eq3A_146, %jit3A_147, %jit3A_145 : i32
      %rem3A_149 = arith.remsi %scan3A_128, %select_n3A_148 : i32
      %ne3A_150 = arith.constant 0 : i32
      %ne3A_151 = arith.cmpi ne, %rem3A_149, %ne3A_150 : i32
      %lt3A = arith.constant 0 : i32
      %lt3A_152 = arith.cmpi slt, %rem3A_149, %lt3A : i32
      %lt3A_153 = arith.constant 0 : i32
      %lt3A_154 = arith.cmpi slt, %select_n3A_148, %lt3A_153 : i32
      %ne3A_155 = arith.xori %lt3A_152, %lt3A_154 : i1
      %and3A_156 = arith.andi %ne3A_155, %ne3A_151 : i1
      %add3A_157 = arith.addi %rem3A_149, %select_n3A_148 : i32
      %select_n3A_158 = arith.select %and3A_156, %add3A_157, %rem3A_149 : i32
      %get3A = arith.index_cast %select_n3A : i32 to index
      %get3A_159 = arith.index_cast %select_n3A_158 : i32 to index
      %get3A_160 = arith.constant 0 : index
      %get3A_161 = tpu.vector_load %arg7[%get3A, %get3A_159, %get3A_160] {strides = array<i32>} : memref<6x96x128xf32, #tpu.memory_space<vmem>>, vector<1x1x16xf32>,
      %get3A_162 = vector.shape_cast %get3A_161 : vector<1x1x16xf32> to vector<16xf32>
      %mul3A_163 = arith.constant 64 : i32
      %mul3A_164 = arith.muli %scan3A_128, %mul3A_163 : i32
      %add3A_165 = arith.constant 0 : i32
      %add3A_166 = arith.addi %mul3A_164, %add3A_165 : i32
      %get3A_167 = arith.index_cast %add3A_166 : i32 to index
      %get3A_168 = tpu.vector_load %arg8[%get3A_167] {strides = array<i32>} : memref<36864xf32, #tpu.memory_space<vmem>>, vector<16xf32>,
      %get3A_169 = vector.shape_cast %get3A_168 : vector<16xf32> to vector<16xf32>
      %sub3A_170 = arith.subf %get3A_162, %get3A_169 : vector<16xf32>
      %add3A_171 = arith.addf %get3A_169, %sub3A_170 : vector<16xf32>
      %mul3A_172 = arith.constant 64 : i32
      %mul3A_173 = arith.muli %scan3A_128, %mul3A_172 : i32
      %add3A_174 = arith.constant 0 : i32
      %add3A_175 = arith.addi %mul3A_173, %add3A_174 : i32
      %swap3A = arith.index_cast %add3A_175 : i32 to index
      %swap3A_176 = tpu.vector_load %arg8[%swap3A] {strides = array<i32>} : memref<36864xf32, #tpu.memory_space<vmem>>, vector<16xf32>,
      %swap3A_177 = vector.shape_cast %swap3A_176 : vector<16xf32> to vector<16xf32>
      %swap3A_178 = vector.shape_cast %add3A_171 : vector<16xf32> to vector<16xf32>
      tpu.vector_store %arg8[%swap3A], %swap3A_178 {strides = array<i32>} : memref<36864xf32, #tpu.memory_space<vmem>>, vector<16xf32>,
      %jit3A_179 = arith.constant 96 : i32
      %div3A_180 = arith.divsi %scan3A_128, %jit3A_179 : i32
      %sign3A_181 = arith.constant 0 : i32
      %sign3A_182 = arith.cmpi sgt, %scan3A_128, %sign3A_181 : i32
      %sign3A_183 = arith.extui %sign3A_182 : i1 to i32
      %sign3A_184 = arith.constant 0 : i32
      %sign3A_185 = arith.cmpi slt, %scan3A_128, %sign3A_184 : i32
      %sign3A_186 = arith.extui %sign3A_185 : i1 to i32
      %sign3A_187 = arith.subi %sign3A_183, %sign3A_186 : i32
      %sign3A_188 = arith.constant 0 : i32
      %sign3A_189 = arith.cmpi sgt, %jit3A_179, %sign3A_188 : i32
      %sign3A_190 = arith.extui %sign3A_189 : i1 to i32
      %sign3A_191 = arith.constant 0 : i32
      %sign3A_192 = arith.cmpi slt, %jit3A_179, %sign3A_191 : i32
      %sign3A_193 = arith.extui %sign3A_192 : i1 to i32
      %sign3A_194 = arith.subi %sign3A_190, %sign3A_193 : i32
      %ne3A_195 = arith.cmpi ne, %sign3A_187, %sign3A_194 : i32
      %rem3A_196 = arith.remsi %scan3A_128, %jit3A_179 : i32
      %ne3A_197 = arith.constant 0 : i32
      %ne3A_198 = arith.cmpi ne, %rem3A_196, %ne3A_197 : i32
      %and3A_199 = arith.andi %ne3A_195, %ne3A_198 : i1
      %sub3A_200 = arith.constant 1 : i32
      %sub3A_201 = arith.subi %div3A_180, %sub3A_200 : i32
      %select_n3A_202 = arith.select %and3A_199, %sub3A_201, %div3A_180 : i32
      %jit3A_203 = arith.constant 96 : i32
      %eq3A_204 = arith.constant 0 : i32
      %eq3A_205 = arith.cmpi eq, %jit3A_203, %eq3A_204 : i32
      %jit3A_206 = arith.constant 1 : i32
      %select_n3A_207 = arith.select %eq3A_205, %jit3A_206, %jit3A_203 : i32
      %rem3A_208 = arith.remsi %scan3A_128, %select_n3A_207 : i32
      %ne3A_209 = arith.constant 0 : i32
      %ne3A_210 = arith.cmpi ne, %rem3A_208, %ne3A_209 : i32
      %lt3A_211 = arith.constant 0 : i32
      %lt3A_212 = arith.cmpi slt, %rem3A_208, %lt3A_211 : i32
      %lt3A_213 = arith.constant 0 : i32
      %lt3A_214 = arith.cmpi slt, %select_n3A_207, %lt3A_213 : i32
      %ne3A_215 = arith.xori %lt3A_212, %lt3A_214 : i1
      %and3A_216 = arith.andi %ne3A_215, %ne3A_210 : i1
      %add3A_217 = arith.addi %rem3A_208, %select_n3A_207 : i32
      %select_n3A_218 = arith.select %and3A_216, %add3A_217, %rem3A_208 : i32
      %get3A_219 = arith.index_cast %select_n3A_202 : i32 to index
      %get3A_220 = arith.index_cast %select_n3A_218 : i32 to index
      %get3A_221 = arith.constant 16 : index
      %get3A_222 = tpu.vector_load %arg7[%get3A_219, %get3A_220, %get3A_221] {strides = array<i32>} : memref<6x96x128xf32, #tpu.memory_space<vmem>>, vector<1x1x16xf32>,
      %get3A_223 = vector.shape_cast %get3A_222 : vector<1x1x16xf32> to vector<16xf32>
      %mul3A_224 = arith.constant 64 : i32
      %mul3A_225 = arith.muli %scan3A_128, %mul3A_224 : i32
      %add3A_226 = arith.constant 16 : i32
      %add3A_227 = arith.addi %mul3A_225, %add3A_226 : i32
      %get3A_228 = arith.index_cast %add3A_227 : i32 to index
      %get3A_229 = tpu.vector_load %arg8[%get3A_228] {strides = array<i32>} : memref<36864xf32, #tpu.memory_space<vmem>>, vector<16xf32>,
      %get3A_230 = vector.shape_cast %get3A_229 : vector<16xf32> to vector<16xf32>
      %sub3A_231 = arith.subf %get3A_223, %get3A_230 : vector<16xf32>
      %add3A_232 = arith.addf %get3A_230, %sub3A_231 : vector<16xf32>
      %mul3A_233 = arith.constant 64 : i32
      %mul3A_234 = arith.muli %scan3A_128, %mul3A_233 : i32
      %add3A_235 = arith.constant 16 : i32
      %add3A_236 = arith.addi %mul3A_234, %add3A_235 : i32
      %swap3A_237 = arith.index_cast %add3A_236 : i32 to index
      %swap3A_238 = tpu.vector_load %arg8[%swap3A_237] {strides = array<i32>} : memref<36864xf32, #tpu.memory_space<vmem>>, vector<16xf32>,
      %swap3A_239 = vector.shape_cast %swap3A_238 : vector<16xf32> to vector<16xf32>
      %swap3A_240 = vector.shape_cast %add3A_232 : vector<16xf32> to vector<16xf32>
      tpu.vector_store %arg8[%swap3A_237], %swap3A_240 {strides = array<i32>} : memref<36864xf32, #tpu.memory_space<vmem>>, vector<16xf32>,
      %jit3A_241 = arith.constant 96 : i32
      %div3A_242 = arith.divsi %scan3A_128, %jit3A_241 : i32
      %sign3A_243 = arith.constant 0 : i32
      %sign3A_244 = arith.cmpi sgt, %scan3A_128, %sign3A_243 : i32
      %sign3A_245 = arith.extui %sign3A_244 : i1 to i32
      %sign3A_246 = arith.constant 0 : i32
      %sign3A_247 = arith.cmpi slt, %scan3A_128, %sign3A_246 : i32
      %sign3A_248 = arith.extui %sign3A_247 : i1 to i32
      %sign3A_249 = arith.subi %sign3A_245, %sign3A_248 : i32
      %sign3A_250 = arith.constant 0 : i32
      %sign3A_251 = arith.cmpi sgt, %jit3A_241, %sign3A_250 : i32
      %sign3A_252 = arith.extui %sign3A_251 : i1 to i32
      %sign3A_253 = arith.constant 0 : i32
      %sign3A_254 = arith.cmpi slt, %jit3A_241, %sign3A_253 : i32
      %sign3A_255 = arith.extui %sign3A_254 : i1 to i32
      %sign3A_256 = arith.subi %sign3A_252, %sign3A_255 : i32
      %ne3A_257 = arith.cmpi ne, %sign3A_249, %sign3A_256 : i32
      %rem3A_258 = arith.remsi %scan3A_128, %jit3A_241 : i32
      %ne3A_259 = arith.constant 0 : i32
      %ne3A_260 = arith.cmpi ne, %rem3A_258, %ne3A_259 : i32
      %and3A_261 = arith.andi %ne3A_257, %ne3A_260 : i1
      %sub3A_262 = arith.constant 1 : i32
      %sub3A_263 = arith.subi %div3A_242, %sub3A_262 : i32
      %select_n3A_264 = arith.select %and3A_261, %sub3A_263, %div3A_242 : i32
      %jit3A_265 = arith.constant 96 : i32
      %eq3A_266 = arith.constant 0 : i32
      %eq3A_267 = arith.cmpi eq, %jit3A_265, %eq3A_266 : i32
      %jit3A_268 = arith.constant 1 : i32
      %select_n3A_269 = arith.select %eq3A_267, %jit3A_268, %jit3A_265 : i32
      %rem3A_270 = arith.remsi %scan3A_128, %select_n3A_269 : i32
      %ne3A_271 = arith.constant 0 : i32
      %ne3A_272 = arith.cmpi ne, %rem3A_270, %ne3A_271 : i32
      %lt3A_273 = arith.constant 0 : i32
      %lt3A_274 = arith.cmpi slt, %rem3A_270, %lt3A_273 : i32
      %lt3A_275 = arith.constant 0 : i32
      %lt3A_276 = arith.cmpi slt, %select_n3A_269, %lt3A_275 : i32
      %ne3A_277 = arith.xori %lt3A_274, %lt3A_276 : i1
      %and3A_278 = arith.andi %ne3A_277, %ne3A_272 : i1
      %add3A_279 = arith.addi %rem3A_270, %select_n3A_269 : i32
      %select_n3A_280 = arith.select %and3A_278, %add3A_279, %rem3A_270 : i32
      %get3A_281 = arith.index_cast %select_n3A_264 : i32 to index
      %get3A_282 = arith.index_cast %select_n3A_280 : i32 to index
      %get3A_283 = arith.constant 32 : index
      %get3A_284 = tpu.vector_load %arg7[%get3A_281, %get3A_282, %get3A_283] {strides = array<i32>} : memref<6x96x128xf32, #tpu.memory_space<vmem>>, vector<1x1x16xf32>,
      %get3A_285 = vector.shape_cast %get3A_284 : vector<1x1x16xf32> to vector<16xf32>
      %mul3A_286 = arith.constant 64 : i32
      %mul3A_287 = arith.muli %scan3A_128, %mul3A_286 : i32
      %add3A_288 = arith.constant 32 : i32
      %add3A_289 = arith.addi %mul3A_287, %add3A_288 : i32
      %get3A_290 = arith.index_cast %add3A_289 : i32 to index
      %get3A_291 = tpu.vector_load %arg8[%get3A_290] {strides = array<i32>} : memref<36864xf32, #tpu.memory_space<vmem>>, vector<16xf32>,
      %get3A_292 = vector.shape_cast %get3A_291 : vector<16xf32> to vector<16xf32>
      %sub3A_293 = arith.subf %get3A_285, %get3A_292 : vector<16xf32>
      %add3A_294 = arith.addf %get3A_292, %sub3A_293 : vector<16xf32>
      %mul3A_295 = arith.constant 64 : i32
      %mul3A_296 = arith.muli %scan3A_128, %mul3A_295 : i32
      %add3A_297 = arith.constant 32 : i32
      %add3A_298 = arith.addi %mul3A_296, %add3A_297 : i32
      %swap3A_299 = arith.index_cast %add3A_298 : i32 to index
      %swap3A_300 = tpu.vector_load %arg8[%swap3A_299] {strides = array<i32>} : memref<36864xf32, #tpu.memory_space<vmem>>, vector<16xf32>,
      %swap3A_301 = vector.shape_cast %swap3A_300 : vector<16xf32> to vector<16xf32>
      %swap3A_302 = vector.shape_cast %add3A_294 : vector<16xf32> to vector<16xf32>
      tpu.vector_store %arg8[%swap3A_299], %swap3A_302 {strides = array<i32>} : memref<36864xf32, #tpu.memory_space<vmem>>, vector<16xf32>,
      %jit3A_303 = arith.constant 96 : i32
      %div3A_304 = arith.divsi %scan3A_128, %jit3A_303 : i32
      %sign3A_305 = arith.constant 0 : i32
      %sign3A_306 = arith.cmpi sgt, %scan3A_128, %sign3A_305 : i32
      %sign3A_307 = arith.extui %sign3A_306 : i1 to i32
      %sign3A_308 = arith.constant 0 : i32
      %sign3A_309 = arith.cmpi slt, %scan3A_128, %sign3A_308 : i32
      %sign3A_310 = arith.extui %sign3A_309 : i1 to i32
      %sign3A_311 = arith.subi %sign3A_307, %sign3A_310 : i32
      %sign3A_312 = arith.constant 0 : i32
      %sign3A_313 = arith.cmpi sgt, %jit3A_303, %sign3A_312 : i32
      %sign3A_314 = arith.extui %sign3A_313 : i1 to i32
      %sign3A_315 = arith.constant 0 : i32
      %sign3A_316 = arith.cmpi slt, %jit3A_303, %sign3A_315 : i32
      %sign3A_317 = arith.extui %sign3A_316 : i1 to i32
      %sign3A_318 = arith.subi %sign3A_314, %sign3A_317 : i32
      %ne3A_319 = arith.cmpi ne, %sign3A_311, %sign3A_318 : i32
      %rem3A_320 = arith.remsi %scan3A_128, %jit3A_303 : i32
      %ne3A_321 = arith.constant 0 : i32
      %ne3A_322 = arith.cmpi ne, %rem3A_320, %ne3A_321 : i32
      %and3A_323 = arith.andi %ne3A_319, %ne3A_322 : i1
      %sub3A_324 = arith.constant 1 : i32
      %sub3A_325 = arith.subi %div3A_304, %sub3A_324 : i32
      %select_n3A_326 = arith.select %and3A_323, %sub3A_325, %div3A_304 : i32
      %jit3A_327 = arith.constant 96 : i32
      %eq3A_328 = arith.constant 0 : i32
      %eq3A_329 = arith.cmpi eq, %jit3A_327, %eq3A_328 : i32
      %jit3A_330 = arith.constant 1 : i32
      %select_n3A_331 = arith.select %eq3A_329, %jit3A_330, %jit3A_327 : i32
      %rem3A_332 = arith.remsi %scan3A_128, %select_n3A_331 : i32
      %ne3A_333 = arith.constant 0 : i32
      %ne3A_334 = arith.cmpi ne, %rem3A_332, %ne3A_333 : i32
      %lt3A_335 = arith.constant 0 : i32
      %lt3A_336 = arith.cmpi slt, %rem3A_332, %lt3A_335 : i32
      %lt3A_337 = arith.constant 0 : i32
      %lt3A_338 = arith.cmpi slt, %select_n3A_331, %lt3A_337 : i32
      %ne3A_339 = arith.xori %lt3A_336, %lt3A_338 : i1
      %and3A_340 = arith.andi %ne3A_339, %ne3A_334 : i1
      %add3A_341 = arith.addi %rem3A_332, %select_n3A_331 : i32
      %select_n3A_342 = arith.select %and3A_340, %add3A_341, %rem3A_332 : i32
      %get3A_343 = arith.index_cast %select_n3A_326 : i32 to index
      %get3A_344 = arith.index_cast %select_n3A_342 : i32 to index
      %get3A_345 = arith.constant 48 : index
      %get3A_346 = tpu.vector_load %arg7[%get3A_343, %get3A_344, %get3A_345] {strides = array<i32>} : memref<6x96x128xf32, #tpu.memory_space<vmem>>, vector<1x1x16xf32>,
      %get3A_347 = vector.shape_cast %get3A_346 : vector<1x1x16xf32> to vector<16xf32>
      %mul3A_348 = arith.constant 64 : i32
      %mul3A_349 = arith.muli %scan3A_128, %mul3A_348 : i32
      %add3A_350 = arith.constant 48 : i32
      %add3A_351 = arith.addi %mul3A_349, %add3A_350 : i32
      %get3A_352 = arith.index_cast %add3A_351 : i32 to index
      %get3A_353 = tpu.vector_load %arg8[%get3A_352] {strides = array<i32>} : memref<36864xf32, #tpu.memory_space<vmem>>, vector<16xf32>,
      %get3A_354 = vector.shape_cast %get3A_353 : vector<16xf32> to vector<16xf32>
      %sub3A_355 = arith.subf %get3A_347, %get3A_354 : vector<16xf32>
      %add3A_356 = arith.addf %get3A_354, %sub3A_355 : vector<16xf32>
      %mul3A_357 = arith.constant 64 : i32
      %mul3A_358 = arith.muli %scan3A_128, %mul3A_357 : i32
      %add3A_359 = arith.constant 48 : i32
      %add3A_360 = arith.addi %mul3A_358, %add3A_359 : i32
      %swap3A_361 = arith.index_cast %add3A_360 : i32 to index
      %swap3A_362 = tpu.vector_load %arg8[%swap3A_361] {strides = array<i32>} : memref<36864xf32, #tpu.memory_space<vmem>>, vector<16xf32>,
      %swap3A_363 = vector.shape_cast %swap3A_362 : vector<16xf32> to vector<16xf32>
      %swap3A_364 = vector.shape_cast %add3A_356 : vector<16xf32> to vector<16xf32>
      tpu.vector_store %arg8[%swap3A_361], %swap3A_364 {strides = array<i32>} : memref<36864xf32, #tpu.memory_space<vmem>>, vector<16xf32>,
    }
    %scan3A_127 = arith.constant 576 : i32
    "tpu.region"() ({
      %run_scoped3A = tpu.sem_alloc : memref<!tpu.dma_semaphore, #tpu.memory_space<semaphore_mem>>
      %dma_start3A_128 = tpu.memref_slice %arg5[%mul3A_2] : memref<1179648xf32, #tpu.memory_space<hbm>> -> memref<36864xf32, #tpu.memory_space<hbm>>
      %dma_start3A_129 = tpu.memref_slice %arg5[%mul3A_2] : memref<1179648xf32, #tpu.memory_space<hbm>> -> memref<36864xf32, #tpu.memory_space<hbm>>
      tpu.enqueue_dma source(%arg8 : memref<36864xf32, #tpu.memory_space<vmem>>) target(%dma_start3A_129 : memref<36864xf32, #tpu.memory_space<hbm>>) target_semaphore(%run_scoped3A : memref<!tpu.dma_semaphore, #tpu.memory_space<semaphore_mem>>)
      %dma_wait3A_130 = tpu.memref_slice %arg5[%mul3A_2] : memref<1179648xf32, #tpu.memory_space<hbm>> -> memref<36864xf32, #tpu.memory_space<hbm>>
      %dma_wait3A_131 = tpu.memref_slice %arg5[%mul3A_2] : memref<1179648xf32, #tpu.memory_space<hbm>> -> memref<36864xf32, #tpu.memory_space<hbm>>
      tpu.wait_dma2 semaphore(%run_scoped3A : memref<!tpu.dma_semaphore, #tpu.memory_space<semaphore_mem>>) src(%arg8 : memref<36864xf32, #tpu.memory_space<vmem>>) dst(%dma_wait3A_131 : memref<36864xf32, #tpu.memory_space<hbm>>)
      tpu.yield
    }) : () -> ()
    return
  }
}

module attributes {stable_mosaic.version = 14 : i64} {
  func.func @_argmin_body(%arg0: i32, %arg1: memref<2048x64xf32, #tpu.memory_space<vmem>>, %arg2: memref<2048x1xf32, #tpu.memory_space<vmem>>, %arg3: memref<8192x64xf32, #tpu.memory_space<vmem>>, %arg4: memref<1x8192xf32, #tpu.memory_space<vmem>>, %arg5: memref<2048x1xi32, #tpu.memory_space<vmem>>, %arg6: memref<1x1xf32, #tpu.memory_space<vmem>>, %arg7: memref<1x1xf32, #tpu.memory_space<smem>>) attributes {dimension_semantics = [#tpu.dimension_semantics<arbitrary>], iteration_bounds = array<i64: 9>, scalar_prefetch = 0 : i64, scratch_operands = 1 : i64, tpu.core_type = #tpu.core_type<tc>, window_params = [{transform_indices = @transform_0, window_bounds = array<i64: 2048, 64>}, {transform_indices = @transform_1, window_bounds = array<i64: 2048, 1>}, {pipeline_mode = #tpu.pipeline_mode<synchronous>, transform_indices = @transform_2, window_bounds = array<i64: 8192, 64>}, {pipeline_mode = #tpu.pipeline_mode<synchronous>, transform_indices = @transform_3, window_bounds = array<i64: 1, 8192>}, {transform_indices = @transform_4, window_bounds = array<i64: 2048, 1>}, {pipeline_mode = #tpu.pipeline_mode<synchronous>, transform_indices = @transform_5, window_bounds = array<i64: 1, 1>}]} {
    %get3A = arith.constant 0 : index
    %get3A_0 = arith.constant 0 : index
    %get3A_1 = vector.load %arg1[%get3A, %get3A_0] : memref<2048x64xf32, #tpu.memory_space<vmem>>, vector<2048x64xf32>
    %get3A_2 = arith.constant 0 : index
    %get3A_3 = arith.constant 0 : index
    %get3A_4 = vector.load %arg2[%get3A_2, %get3A_3] : memref<2048x1xf32, #tpu.memory_space<vmem>>, vector<2048x1xf32>
    %broadcast_in_dim3A = arith.constant 0x7F800000 : f32
    %broadcast_in_dim3A_5 = vector.broadcast %broadcast_in_dim3A : f32 to vector<2048x1xf32>
    %broadcast_in_dim3A_6 = arith.constant 0 : i32
    %broadcast_in_dim3A_7 = vector.broadcast %broadcast_in_dim3A_6 : i32 to vector<2048x1xi32>
    %get3A_8 = arith.constant 0 : index
    %get3A_9 = arith.constant 0 : index
    %get3A_10 = vector.load %arg3[%get3A_8, %get3A_9] : memref<8192x64xf32, #tpu.memory_space<vmem>>, vector<2048x64xf32>
    %get3A_11 = arith.constant 0 : index
    %get3A_12 = arith.constant 0 : index
    %get3A_13 = vector.load %arg4[%get3A_11, %get3A_12] : memref<1x8192xf32, #tpu.memory_space<vmem>>, vector<1x2048xf32>
    %dot_general3A = arith.constant dense<0.000000e+00> : vector<2048x2048xf32>
    %dot_general3A_14 = tpu.matmul %get3A_1, %get3A_10, %dot_general3A {dimension_numbers = #tpu.dot_dimension_numbers<[1], [1], [0], [0], [0, 0, 1, 0], [], []>, transpose_lhs_hint = false} : vector<2048x64xf32>, vector<2048x64xf32>, vector<2048x2048xf32> -> vector<2048x2048xf32>
    %add3A = vector.broadcast %get3A_4 : vector<2048x1xf32> to vector<2048x2048xf32>
    %add3A_15 = vector.broadcast %get3A_13 : vector<1x2048xf32> to vector<2048x2048xf32>
    %add3A_16 = arith.addf %add3A, %add3A_15 : vector<2048x2048xf32>
    %mul3A = arith.constant 2.000000e+00 : f32
    %mul3A_17 = vector.broadcast %mul3A : f32 to vector<2048x2048xf32>
    %mul3A_18 = arith.mulf %mul3A_17, %dot_general3A_14 : vector<2048x2048xf32>
    %sub3A = arith.subf %add3A_16, %mul3A_18 : vector<2048x2048xf32>
    %reduce_min3A = arith.constant dense<0x7F800000> : vector<2048xf32>
    %reduce_min3A_19 = vector.multi_reduction <minimumf>, %sub3A, %reduce_min3A [1] : vector<2048x2048xf32> to vector<2048xf32>
    %broadcast_in_dim3A_20 = vector.shape_cast %reduce_min3A_19 : vector<2048xf32> to vector<2048x1xf32>
    %iota3A = tpu.iota {dimensions = array<i32: 1>} : vector<2048x2048xi32>
    %eq3A = vector.broadcast %broadcast_in_dim3A_20 : vector<2048x1xf32> to vector<2048x2048xf32>
    %eq3A_21 = arith.cmpf oeq, %sub3A, %eq3A : vector<2048x2048xf32>
    %jit3A = arith.constant 2048 : i32
    %broadcast_in_dim3A_22 = vector.broadcast %jit3A : i32 to vector<2048x2048xi32>
    %select_n3A = arith.select %eq3A_21, %iota3A, %broadcast_in_dim3A_22 : vector<2048x2048xi1>, vector<2048x2048xi32>
    %reduce_min3A_23 = arith.constant dense<2147483647> : vector<2048xi32>
    %reduce_min3A_24 = vector.multi_reduction <minsi>, %select_n3A, %reduce_min3A_23 [1] : vector<2048x2048xi32> to vector<2048xi32>
    %broadcast_in_dim3A_25 = vector.shape_cast %reduce_min3A_24 : vector<2048xi32> to vector<2048x1xi32>
    %add3A_26 = arith.constant 0 : i32
    %add3A_27 = vector.broadcast %add3A_26 : i32 to vector<2048x1xi32>
    %add3A_28 = arith.addi %broadcast_in_dim3A_25, %add3A_27 : vector<2048x1xi32>
    %lt3A = arith.cmpf olt, %broadcast_in_dim3A_20, %broadcast_in_dim3A_5 : vector<2048x1xf32>
    %select_n3A_29 = arith.select %lt3A, %broadcast_in_dim3A_20, %broadcast_in_dim3A_5 : vector<2048x1xi1>, vector<2048x1xf32>
    %select_n3A_30 = arith.select %lt3A, %add3A_28, %broadcast_in_dim3A_7 : vector<2048x1xi1>, vector<2048x1xi32>
    %get3A_31 = arith.constant 2048 : index
    %get3A_32 = arith.constant 0 : index
    %get3A_33 = vector.load %arg3[%get3A_31, %get3A_32] : memref<8192x64xf32, #tpu.memory_space<vmem>>, vector<2048x64xf32>
    %get3A_34 = arith.constant 0 : index
    %get3A_35 = arith.constant 2048 : index
    %get3A_36 = vector.load %arg4[%get3A_34, %get3A_35] : memref<1x8192xf32, #tpu.memory_space<vmem>>, vector<1x2048xf32>
    %dot_general3A_37 = arith.constant dense<0.000000e+00> : vector<2048x2048xf32>
    %dot_general3A_38 = tpu.matmul %get3A_1, %get3A_33, %dot_general3A_37 {dimension_numbers = #tpu.dot_dimension_numbers<[1], [1], [0], [0], [0, 0, 1, 0], [], []>, transpose_lhs_hint = false} : vector<2048x64xf32>, vector<2048x64xf32>, vector<2048x2048xf32> -> vector<2048x2048xf32>
    %add3A_39 = vector.broadcast %get3A_4 : vector<2048x1xf32> to vector<2048x2048xf32>
    %add3A_40 = vector.broadcast %get3A_36 : vector<1x2048xf32> to vector<2048x2048xf32>
    %add3A_41 = arith.addf %add3A_39, %add3A_40 : vector<2048x2048xf32>
    %mul3A_42 = arith.constant 2.000000e+00 : f32
    %mul3A_43 = vector.broadcast %mul3A_42 : f32 to vector<2048x2048xf32>
    %mul3A_44 = arith.mulf %mul3A_43, %dot_general3A_38 : vector<2048x2048xf32>
    %sub3A_45 = arith.subf %add3A_41, %mul3A_44 : vector<2048x2048xf32>
    %reduce_min3A_46 = arith.constant dense<0x7F800000> : vector<2048xf32>
    %reduce_min3A_47 = vector.multi_reduction <minimumf>, %sub3A_45, %reduce_min3A_46 [1] : vector<2048x2048xf32> to vector<2048xf32>
    %broadcast_in_dim3A_48 = vector.shape_cast %reduce_min3A_47 : vector<2048xf32> to vector<2048x1xf32>
    %iota3A_49 = tpu.iota {dimensions = array<i32: 1>} : vector<2048x2048xi32>
    %eq3A_50 = vector.broadcast %broadcast_in_dim3A_48 : vector<2048x1xf32> to vector<2048x2048xf32>
    %eq3A_51 = arith.cmpf oeq, %sub3A_45, %eq3A_50 : vector<2048x2048xf32>
    %jit3A_52 = arith.constant 2048 : i32
    %broadcast_in_dim3A_53 = vector.broadcast %jit3A_52 : i32 to vector<2048x2048xi32>
    %select_n3A_54 = arith.select %eq3A_51, %iota3A_49, %broadcast_in_dim3A_53 : vector<2048x2048xi1>, vector<2048x2048xi32>
    %reduce_min3A_55 = arith.constant dense<2147483647> : vector<2048xi32>
    %reduce_min3A_56 = vector.multi_reduction <minsi>, %select_n3A_54, %reduce_min3A_55 [1] : vector<2048x2048xi32> to vector<2048xi32>
    %broadcast_in_dim3A_57 = vector.shape_cast %reduce_min3A_56 : vector<2048xi32> to vector<2048x1xi32>
    %add3A_58 = arith.constant 2048 : i32
    %add3A_59 = vector.broadcast %add3A_58 : i32 to vector<2048x1xi32>
    %add3A_60 = arith.addi %broadcast_in_dim3A_57, %add3A_59 : vector<2048x1xi32>
    %lt3A_61 = arith.cmpf olt, %broadcast_in_dim3A_48, %select_n3A_29 : vector<2048x1xf32>
    %select_n3A_62 = arith.select %lt3A_61, %broadcast_in_dim3A_48, %select_n3A_29 : vector<2048x1xi1>, vector<2048x1xf32>
    %select_n3A_63 = arith.select %lt3A_61, %add3A_60, %select_n3A_30 : vector<2048x1xi1>, vector<2048x1xi32>
    %get3A_64 = arith.constant 4096 : index
    %get3A_65 = arith.constant 0 : index
    %get3A_66 = vector.load %arg3[%get3A_64, %get3A_65] : memref<8192x64xf32, #tpu.memory_space<vmem>>, vector<2048x64xf32>
    %get3A_67 = arith.constant 0 : index
    %get3A_68 = arith.constant 4096 : index
    %get3A_69 = vector.load %arg4[%get3A_67, %get3A_68] : memref<1x8192xf32, #tpu.memory_space<vmem>>, vector<1x2048xf32>
    %dot_general3A_70 = arith.constant dense<0.000000e+00> : vector<2048x2048xf32>
    %dot_general3A_71 = tpu.matmul %get3A_1, %get3A_66, %dot_general3A_70 {dimension_numbers = #tpu.dot_dimension_numbers<[1], [1], [0], [0], [0, 0, 1, 0], [], []>, transpose_lhs_hint = false} : vector<2048x64xf32>, vector<2048x64xf32>, vector<2048x2048xf32> -> vector<2048x2048xf32>
    %add3A_72 = vector.broadcast %get3A_4 : vector<2048x1xf32> to vector<2048x2048xf32>
    %add3A_73 = vector.broadcast %get3A_69 : vector<1x2048xf32> to vector<2048x2048xf32>
    %add3A_74 = arith.addf %add3A_72, %add3A_73 : vector<2048x2048xf32>
    %mul3A_75 = arith.constant 2.000000e+00 : f32
    %mul3A_76 = vector.broadcast %mul3A_75 : f32 to vector<2048x2048xf32>
    %mul3A_77 = arith.mulf %mul3A_76, %dot_general3A_71 : vector<2048x2048xf32>
    %sub3A_78 = arith.subf %add3A_74, %mul3A_77 : vector<2048x2048xf32>
    %reduce_min3A_79 = arith.constant dense<0x7F800000> : vector<2048xf32>
    %reduce_min3A_80 = vector.multi_reduction <minimumf>, %sub3A_78, %reduce_min3A_79 [1] : vector<2048x2048xf32> to vector<2048xf32>
    %broadcast_in_dim3A_81 = vector.shape_cast %reduce_min3A_80 : vector<2048xf32> to vector<2048x1xf32>
    %iota3A_82 = tpu.iota {dimensions = array<i32: 1>} : vector<2048x2048xi32>
    %eq3A_83 = vector.broadcast %broadcast_in_dim3A_81 : vector<2048x1xf32> to vector<2048x2048xf32>
    %eq3A_84 = arith.cmpf oeq, %sub3A_78, %eq3A_83 : vector<2048x2048xf32>
    %jit3A_85 = arith.constant 2048 : i32
    %broadcast_in_dim3A_86 = vector.broadcast %jit3A_85 : i32 to vector<2048x2048xi32>
    %select_n3A_87 = arith.select %eq3A_84, %iota3A_82, %broadcast_in_dim3A_86 : vector<2048x2048xi1>, vector<2048x2048xi32>
    %reduce_min3A_88 = arith.constant dense<2147483647> : vector<2048xi32>
    %reduce_min3A_89 = vector.multi_reduction <minsi>, %select_n3A_87, %reduce_min3A_88 [1] : vector<2048x2048xi32> to vector<2048xi32>
    %broadcast_in_dim3A_90 = vector.shape_cast %reduce_min3A_89 : vector<2048xi32> to vector<2048x1xi32>
    %add3A_91 = arith.constant 4096 : i32
    %add3A_92 = vector.broadcast %add3A_91 : i32 to vector<2048x1xi32>
    %add3A_93 = arith.addi %broadcast_in_dim3A_90, %add3A_92 : vector<2048x1xi32>
    %lt3A_94 = arith.cmpf olt, %broadcast_in_dim3A_81, %select_n3A_62 : vector<2048x1xf32>
    %select_n3A_95 = arith.select %lt3A_94, %broadcast_in_dim3A_81, %select_n3A_62 : vector<2048x1xi1>, vector<2048x1xf32>
    %select_n3A_96 = arith.select %lt3A_94, %add3A_93, %select_n3A_63 : vector<2048x1xi1>, vector<2048x1xi32>
    %get3A_97 = arith.constant 6144 : index
    %get3A_98 = arith.constant 0 : index
    %get3A_99 = vector.load %arg3[%get3A_97, %get3A_98] : memref<8192x64xf32, #tpu.memory_space<vmem>>, vector<2048x64xf32>
    %get3A_100 = arith.constant 0 : index
    %get3A_101 = arith.constant 6144 : index
    %get3A_102 = vector.load %arg4[%get3A_100, %get3A_101] : memref<1x8192xf32, #tpu.memory_space<vmem>>, vector<1x2048xf32>
    %dot_general3A_103 = arith.constant dense<0.000000e+00> : vector<2048x2048xf32>
    %dot_general3A_104 = tpu.matmul %get3A_1, %get3A_99, %dot_general3A_103 {dimension_numbers = #tpu.dot_dimension_numbers<[1], [1], [0], [0], [0, 0, 1, 0], [], []>, transpose_lhs_hint = false} : vector<2048x64xf32>, vector<2048x64xf32>, vector<2048x2048xf32> -> vector<2048x2048xf32>
    %add3A_105 = vector.broadcast %get3A_4 : vector<2048x1xf32> to vector<2048x2048xf32>
    %add3A_106 = vector.broadcast %get3A_102 : vector<1x2048xf32> to vector<2048x2048xf32>
    %add3A_107 = arith.addf %add3A_105, %add3A_106 : vector<2048x2048xf32>
    %mul3A_108 = arith.constant 2.000000e+00 : f32
    %mul3A_109 = vector.broadcast %mul3A_108 : f32 to vector<2048x2048xf32>
    %mul3A_110 = arith.mulf %mul3A_109, %dot_general3A_104 : vector<2048x2048xf32>
    %sub3A_111 = arith.subf %add3A_107, %mul3A_110 : vector<2048x2048xf32>
    %reduce_min3A_112 = arith.constant dense<0x7F800000> : vector<2048xf32>
    %reduce_min3A_113 = vector.multi_reduction <minimumf>, %sub3A_111, %reduce_min3A_112 [1] : vector<2048x2048xf32> to vector<2048xf32>
    %broadcast_in_dim3A_114 = vector.shape_cast %reduce_min3A_113 : vector<2048xf32> to vector<2048x1xf32>
    %iota3A_115 = tpu.iota {dimensions = array<i32: 1>} : vector<2048x2048xi32>
    %eq3A_116 = vector.broadcast %broadcast_in_dim3A_114 : vector<2048x1xf32> to vector<2048x2048xf32>
    %eq3A_117 = arith.cmpf oeq, %sub3A_111, %eq3A_116 : vector<2048x2048xf32>
    %jit3A_118 = arith.constant 2048 : i32
    %broadcast_in_dim3A_119 = vector.broadcast %jit3A_118 : i32 to vector<2048x2048xi32>
    %select_n3A_120 = arith.select %eq3A_117, %iota3A_115, %broadcast_in_dim3A_119 : vector<2048x2048xi1>, vector<2048x2048xi32>
    %reduce_min3A_121 = arith.constant dense<2147483647> : vector<2048xi32>
    %reduce_min3A_122 = vector.multi_reduction <minsi>, %select_n3A_120, %reduce_min3A_121 [1] : vector<2048x2048xi32> to vector<2048xi32>
    %broadcast_in_dim3A_123 = vector.shape_cast %reduce_min3A_122 : vector<2048xi32> to vector<2048x1xi32>
    %add3A_124 = arith.constant 6144 : i32
    %add3A_125 = vector.broadcast %add3A_124 : i32 to vector<2048x1xi32>
    %add3A_126 = arith.addi %broadcast_in_dim3A_123, %add3A_125 : vector<2048x1xi32>
    %lt3A_127 = arith.cmpf olt, %broadcast_in_dim3A_114, %select_n3A_95 : vector<2048x1xf32>
    %select_n3A_128 = arith.select %lt3A_127, %broadcast_in_dim3A_114, %select_n3A_95 : vector<2048x1xi1>, vector<2048x1xf32>
    %select_n3A_129 = arith.select %lt3A_127, %add3A_126, %select_n3A_96 : vector<2048x1xi1>, vector<2048x1xi32>
    %swap3A = arith.constant 0 : index
    %swap3A_130 = arith.constant 0 : index
    %swap3A_131 = vector.load %arg5[%swap3A, %swap3A_130] : memref<2048x1xi32, #tpu.memory_space<vmem>>, vector<2048x1xi32>
    tpu.vector_store %arg5[%swap3A, %swap3A_130], %select_n3A_129 {strides = array<i32>} : memref<2048x1xi32, #tpu.memory_space<vmem>>, vector<2048x1xi32>,
    %reduce_sum3A = vector.shape_cast %select_n3A_128 : vector<2048x1xf32> to vector<1x2048x1xf32>
    %reduce_sum3A_132 = arith.constant dense<0.000000e+00> : vector<1xf32>
    %reduce_sum3A_133 = vector.multi_reduction <add>, %reduce_sum3A, %reduce_sum3A_132 [1, 2] : vector<1x2048x1xf32> to vector<1xf32>
    %reduce_sum3A_134 = vector.shape_cast %reduce_sum3A_133 : vector<1xf32> to vector<1x1x1xf32>
    %reduce_sum3A_135 = vector.extract %reduce_sum3A_134[0, 0, 0] : f32 from vector<1x1x1xf32>
    %eq3A_136 = arith.constant 0 : i32
    %eq3A_137 = arith.cmpi eq, %arg0, %eq3A_136 : i32
    %convert_element_type3A = arith.extui %eq3A_137 : i1 to i32
    %cond3A = arith.constant 0 : i32
    %cond3A_138 = arith.cmpi ne, %convert_element_type3A, %cond3A : i32
    scf.if %cond3A_138 {
      %swap3A_148 = arith.constant 0 : index
      %swap3A_149 = arith.constant 0 : index
      %swap3A_150 = memref.load %arg7[%swap3A_148, %swap3A_149] : memref<1x1xf32, #tpu.memory_space<smem>>
      memref.store %reduce_sum3A_135, %arg7[%swap3A_148, %swap3A_149] : memref<1x1xf32, #tpu.memory_space<smem>>
    } else {
    }
    %gt3A = arith.constant 0 : i32
    %gt3A_139 = arith.cmpi sgt, %arg0, %gt3A : i32
    %convert_element_type3A_140 = arith.extui %gt3A_139 : i1 to i32
    %cond3A_141 = arith.constant 0 : i32
    %cond3A_142 = arith.cmpi ne, %convert_element_type3A_140, %cond3A_141 : i32
    scf.if %cond3A_142 {
      %get3A_148 = arith.constant 0 : index
      %get3A_149 = arith.constant 0 : index
      %get3A_150 = memref.load %arg7[%get3A_148, %get3A_149] : memref<1x1xf32, #tpu.memory_space<smem>>
      %add3A_151 = arith.addf %get3A_150, %reduce_sum3A_135 : f32
      %swap3A_152 = arith.constant 0 : index
      %swap3A_153 = arith.constant 0 : index
      %swap3A_154 = memref.load %arg7[%swap3A_152, %swap3A_153] : memref<1x1xf32, #tpu.memory_space<smem>>
      memref.store %add3A_151, %arg7[%swap3A_152, %swap3A_153] : memref<1x1xf32, #tpu.memory_space<smem>>
    } else {
    }
    %eq3A_143 = arith.constant 8 : i32
    %eq3A_144 = arith.cmpi eq, %arg0, %eq3A_143 : i32
    %convert_element_type3A_145 = arith.extui %eq3A_144 : i1 to i32
    %cond3A_146 = arith.constant 0 : i32
    %cond3A_147 = arith.cmpi ne, %convert_element_type3A_145, %cond3A_146 : i32
    scf.if %cond3A_147 {
      %get3A_148 = arith.constant 0 : index
      %get3A_149 = arith.constant 0 : index
      %get3A_150 = memref.load %arg7[%get3A_148, %get3A_149] : memref<1x1xf32, #tpu.memory_space<smem>>
      %div3A = arith.constant 0x49900000 : f32
      %div3A_151 = arith.divf %get3A_150, %div3A : f32
      %mul3A_152 = arith.constant 2.500000e-01 : f32
      %mul3A_153 = arith.mulf %mul3A_152, %div3A_151 : f32
      %add3A_154 = arith.addf %div3A_151, %mul3A_153 : f32
      %broadcast_in_dim3A_155 = vector.broadcast %add3A_154 : f32 to vector<1x1xf32>
      %swap3A_156 = arith.constant 0 : index
      %swap3A_157 = arith.constant 0 : index
      %swap3A_158 = vector.load %arg6[%swap3A_156, %swap3A_157] : memref<1x1xf32, #tpu.memory_space<vmem>>, vector<1x1xf32>
      tpu.vector_store %arg6[%swap3A_156, %swap3A_157], %broadcast_in_dim3A_155 {strides = array<i32>} : memref<1x1xf32, #tpu.memory_space<vmem>>, vector<1x1xf32>,
    } else {
    }
    return
  }
  func.func @transform_0(%arg0: i32) -> (i32, i32) {
    %c0_i32 = arith.constant 0 : i32
    %c0_i32_0 = arith.constant 0 : i32
    return %arg0, %c0_i32 : i32, i32
  }
  func.func @transform_1(%arg0: i32) -> (i32, i32) {
    %c0_i32 = arith.constant 0 : i32
    %c0_i32_0 = arith.constant 0 : i32
    return %arg0, %c0_i32 : i32, i32
  }
  func.func @transform_2(%arg0: i32) -> (i32, i32) {
    %c0_i32 = arith.constant 0 : i32
    %c0_i32_0 = arith.constant 0 : i32
    %c0_i32_1 = arith.constant 0 : i32
    return %c0_i32, %c0_i32_0 : i32, i32
  }
  func.func @transform_3(%arg0: i32) -> (i32, i32) {
    %c0_i32 = arith.constant 0 : i32
    %c0_i32_0 = arith.constant 0 : i32
    %c0_i32_1 = arith.constant 0 : i32
    return %c0_i32, %c0_i32_0 : i32, i32
  }
  func.func @transform_4(%arg0: i32) -> (i32, i32) {
    %c0_i32 = arith.constant 0 : i32
    %c0_i32_0 = arith.constant 0 : i32
    return %arg0, %c0_i32 : i32, i32
  }
  func.func @transform_5(%arg0: i32) -> (i32, i32) {
    %c0_i32 = arith.constant 0 : i32
    %c0_i32_0 = arith.constant 0 : i32
    %c0_i32_1 = arith.constant 0 : i32
    return %c0_i32, %c0_i32_0 : i32, i32
  }
}

</mosaic_0001>

<sc_bundles>
// kernel: kernel.4.cloned.1.call-start
scs
__scs_entry_jumppad:
0x0: {  	(pc) =	sbr.rel $0x88, $3  }
0x1: {  	(tag) =	ssettag $0x0;
	lr =	simm.s32 $0x1  }
0x2: {  	[smem:$0x3F9F] =	sst lr;
	_ =	strace $0xD0000000  }
0x3: {  	_ = 	snop  }
0x4: {  	_ = 	snop  }
0x5: {  	_ = 	snop  }
0x6: {  	_ = 	snop  }
0x7: {  	_ = 	snop  }
__scs_overlays_trampoline_lowered:
0x8: {  	[smem:$0x3FAE] =	sst s0  }
0x9: {  	[smem:$0x3FAF] =	sst s1  }
0xa: {  	[smem:$0x3FB0] =	sst s2  }
0xb: {  	[smem:$0x3FB1] =	sst s3  }
0xc: {  	[smem:$0x3FB2] =	sst s4  }
0xd: {  	[smem:$0x3FB3] =	sst s5  }
0xe: {  	[smem:$0x3FB4] =	sst s6  }
0xf: {  	[smem:$0x3FB5] =	sst s7  }
0x10: {  	[smem:$0x3FB6] =	sst s8  }
0x11: {  	[smem:$0x3FB7] =	sst s9;
	s0 =	simm.s32 @!p0 $0x0  }
0x12: {  	s1 =	sld [smem:$0x3F9D];
	s0 =	simm.s32 @p0 $0x1  }
0x13: {  	[smem:$0x3FB8] =	sst s0;
	s0 =	simm.s32 @!p1 $0x0  }
0x14: {  	s2 =	sld [smem:$0x3F9C];
	s0 =	simm.s32 @p1 $0x1  }
0x15: {  	[smem:$0x3FB9] =	sst s0;
	s0 =	simm.s32 @!p2 $0x0  }
0x16: {  	s3 =	sld [smem:$0x3FDB];
	s0 =	simm.s32 @p2 $0x1  }
0x17: {  	s4 =	simm.s32 $0x1BF5;
	[smem:$0x3FBB] =	sst s0  }
0x18: {  	s0 =	sld [smem:$0x3F9E];
	_ =	swait.ge [sflag:s4], $0x0  }
0x19: {  	s7 =	sld [smem:$0x3F9F]  }
0x1a: {  	s8 =	sadd.s32 $0xFFFFE003, lr  }
0x1b: {  	s9 =	sadd.s32 $0xFFFFFEF7, lr;
	s5 =	simm.s32 $0xFFFFFFFF;
	p2 =	slt.u32 s8, $0xFFFFF086  }
0x1c: {  	p1 =	slt.u32 s9, $0xF7A;
	s5 =	simm.s32 @!p2 $0x0  }
0x1d: {  	s5 =	simm.s32 @p1 $0x1;
	p0 =	seq.s32 s7, s2  }
0x1e: {  	s7 =	smul.u32 @!p0 $0xF7A, s2;
	p2 =	seq.s32 @!p0 s5, $0x0  }
0x1f: {  	s9 =	smul.u32 $0xF7A, s1;
	s8 =	simm.s32 @!p0 $0x1BF5;
	p2 =	por !p2, p0  }
0x20: {  	[sflag:s8] =	ssyncset.s32 @!p0 $0xFFFFF086;
	s6 =	sadd.s32 @!p0 s3, s7;
	s7 =	simm.s32 @!p0 $0x108  }
0x21: {  	s3 =	sadd.s32 s3, s9;
	s6 =	sadd.s32 @!p0 $0x88, s6;
	s7 =	simm.s32 @p2 $0x1082  }
0x22: {  	[simem:s7], [sflag:s8] =	dma.local @!p0 [hbm:s6], $0xF7A  }
0x23: {  	s9 =	sor.u32 $0xD0000000, s2;
	s6 =	simm.s32 $0x108;
	_ =	swait.ge @!p0 [sflag:s8], $0x0  }
0x24: {  	s3 =	sadd.s32 $0x88, s3;
	s6 =	simm.s32 @!p1 $0x1082;
	[sflag:s4] =	ssyncset.s32 $0xFFFFF086  }
0x25: {  	[simem:s6], [sflag:s4] =	dma.local [hbm:s3], $0xF7A  }
0x26: {  	[smem:$0x3F9F] =	sst s1;
	(tag) =	ssettag s2;
	_ =	strace s9  }
0x27: {  	s1 =	sld [smem:$0x3FAF]  }
0x28: {  	s2 =	sld [smem:$0x3FB0]  }
0x29: {  	s4 =	sld [smem:$0x3FB2]  }
0x2a: {  	p0 =	seq.s32 s5, $0x0;
	s5 =	sld [smem:$0x3FB3]  }
0x2b: {  	s6 =	sld [smem:$0x3FB4]  }
0x2c: {  	s7 =	sld [smem:$0x3FB5]  }
0x2d: {  	s3 =	simm.s32 $0x108;
	s8 =	sld [smem:$0x3FB6]  }
0x2e: {  	s3 =	simm.s32 @!p0 $0x1082;
	s9 =	sld [smem:$0x3FB7]  }
0x2f: {  	lr =	sadd.s32 s0, s3;
	s0 =	sld [smem:$0x3FAE]  }
0x30: {  	s3 =	sld [smem:$0x3FB1]  }
0x31: {  	[smem:$0x3FBA] =	sst s10  }
0x32: {  	s10 =	sld [smem:$0x3FB8];
	_ =	sdelay $0x3  }
0x33: {  	p0 =	seq.s32 s10, $0x1;
	s10 =	sld [smem:$0x3FBA];
	_ =	sdelay $0x3  }
0x34: {  	[smem:$0x3FBA] =	sst s10  }
0x35: {  	s10 =	sld [smem:$0x3FB9];
	_ =	sdelay $0x3  }
0x36: {  	p1 =	seq.s32 s10, $0x1;
	s10 =	sld [smem:$0x3FBA];
	_ =	sdelay $0x3  }
0x37: {  	[smem:$0x3FBA] =	sst s10  }
0x38: {  	s10 =	sld [smem:$0x3FBB]  }
0x39: {  	_ = 	snop;
	(pc) =	sbr.ind lr, $3  }
0x3a: {  	_ = 	snop  }
0x3b: {  	_ = 	snop  }
0x3c: {  	p2 =	seq.s32 s10, $0x1;
	s10 =	sld [smem:$0x3FBA]  }
0x3d: {  	_ =	shalt  }
0x3e: {  	_ =	shalt  }
0x3f: {  	_ =	shalt  }
0x40: {  	_ =	shalt  }
0x41: {  	_ =	shalt  }
0x42: {  	_ =	shalt  }
0x43: {  	_ =	shalt  }
0x44: {  	_ =	shalt  }
0x45: {  	_ =	shalt  }
0x46: {  	_ =	shalt  }
0x47: {  	_ =	shalt  }
0x48: {  	_ =	shalt  }
0x49: {  	_ =	shalt  }
0x4a: {  	_ =	shalt  }
0x4b: {  	_ =	shalt  }
0x4c: {  	_ =	shalt  }
0x4d: {  	_ =	shalt  }
0x4e: {  	_ =	shalt  }
0x4f: {  	_ =	shalt  }
0x50: {  	_ =	shalt  }
0x51: {  	_ =	shalt  }
0x52: {  	_ =	shalt  }
0x53: {  	_ =	shalt  }
0x54: {  	_ =	shalt  }
0x55: {  	_ =	shalt  }
0x56: {  	_ =	shalt  }
0x57: {  	_ =	shalt  }
0x58: {  	_ =	shalt  }
0x59: {  	_ =	shalt  }
0x5a: {  	_ =	shalt  }
0x5b: {  	_ =	shalt  }
0x5c: {  	_ =	shalt  }
0x5d: {  	_ =	shalt  }
0x5e: {  	_ =	shalt  }
0x5f: {  	_ =	shalt  }
0x60: {  	_ =	shalt  }
0x61: {  	_ =	shalt  }
0x62: {  	_ =	shalt  }
0x63: {  	_ =	shalt  }
0x64: {  	_ =	shalt  }
0x65: {  	_ =	shalt  }
0x66: {  	_ =	shalt  }
0x67: {  	_ =	shalt  }
0x68: {  	_ =	shalt  }
0x69: {  	_ =	shalt  }
0x6a: {  	_ =	shalt  }
0x6b: {  	_ =	shalt  }
0x6c: {  	_ =	shalt  }
0x6d: {  	_ =	shalt  }
0x6e: {  	_ =	shalt  }
0x6f: {  	_ =	shalt  }
0x70: {  	_ =	shalt  }
0x71: {  	_ =	shalt  }
0x72: {  	_ =	shalt  }
0x73: {  	_ =	shalt  }
0x74: {  	_ =	shalt  }
0x75: {  	_ =	shalt  }
0x76: {  	_ =	shalt  }
0x77: {  	_ =	shalt  }
0x78: {  	_ =	shalt  }
0x79: {  	_ =	shalt  }
0x7a: {  	_ =	shalt  }
0x7b: {  	_ =	shalt  }
0x7c: {  	_ =	shalt  }
0x7d: {  	_ =	shalt  }
0x7e: {  	_ =	shalt  }
0x7f: {  	_ =	shalt  }
0x80: {  	_ =	shalt  }
0x81: {  	_ =	shalt  }
0x82: {  	_ =	shalt  }
0x83: {  	_ =	shalt  }
0x84: {  	_ =	shalt  }
0x85: {  	_ =	shalt  }
0x86: {  	_ =	shalt  }
0x87: {  	_ =	shalt  }
.Lfunc_end0:
.L_simem_size_0:
called_computation_lowered:
.L_overlay_start_0:
0x88: {  	s2 =	sld [smem:$0x3FD9]  }
0x89: {  	s3 =	sld [smem:$0x3FFE];
	_ =	sdelay $0x1  }
0x8a: {  	s1 =	srdreg.scid  }
0x8b: {  	s0 =	sand.u32 $0x1, s1  }
0x8c: {  	s14 =	sshll.u32 s0, $0xA;
	s2 =	sadd.s32 s3, s2  }
0x8d: {  	s2 =	sadd.s32 s2, s14  }
0x8e: {  	[smem:$0x3FC6] =	sst s2  }
0x8f: {  	_ = 	snop  }
0x90: {  	s2 =	sld [smem:$0x3FD0];
	_ =	sdelay $0x2  }
0x91: {  	s15 =	simm.s32 $0xA;
	s4 =	simm.s32 $0x10  }
0x92: {  	[smem:s4], [sflag:s15] =	dma.local [hbm:s2], $0x1  }
0x93: {  	_ =	swait.eq [sflag:s15], $0x1  }
0x94: {  	[sflag:s15] =	ssyncset.done $0x0  }
0x95: {  	[sflag:s15] =	ssyncadd.s32 $0xFFFFFFFF  }
0x96: {  	s16 =	sld [smem:$0x10];
	(tm) =	ssettm $0x1  }
0x97: {  	s17 =	sld [smem:$0x3FFB];
	_ =	sdelay $0x3  }
0x98: {  	_ =	strace s17  }
0x99: {  	s3 =	sld [smem:$0x3FFC];
	_ =	sdelay $0x3  }
0x9a: {  	_ =	strace s3  }
0x9b: {  	s3 =	sld [smem:$0x3FFD];
	_ =	sdelay $0x3  }
0x9c: {  	_ =	strace s3  }
0x9d: {  	_ =	strace $0x8FFFFFFF  }
0x9e: {  	s18 =	sld [smem:$0x3FDB];
	_ =	sdelay $0x1  }
0x9f: {  	s19 =	simm.s32 $_scs_section_size  }
0xa0: {  	s5 =	simm.s32 $_size__tile_overlayer_lowered;
	s6 =	simm.s32 $_tile_overlayer_lowered  }
0xa1: {  	s22 =	simm.s32 $0x1BFF;
	s21 =	sshll.u32 s6, $0x1;
	s3 =	sadd.s32 s19, s18  }
0xa2: {  	s7 =	simm.s32 $0x0;
	s20 =	sshll.u32 s5, $0x1;
	s5 =	sadd.s32 s21, s3  }
0xa3: {  	[timem:s7], [sflag:s22] =	dma.local [hbm:s5], s20  }
0xa4: {  	_ =	swait.ge [sflag:s22], s20  }
0xa5: {  	s4 =	ssub.s32 $0x0, s20;
	[sflag:s22] =	ssyncset.done $0x0  }
0xa6: {  	[sflag:s22] =	ssyncadd.s32 s4;
	_ =	sdelay $0x1  }
0xa7: {  	s23 =	simm.s32 $0x1B8B  }
0xa8: {  	_ =	swait.ge [sflag:s23], $0x1  }
0xa9: {  	[sflag:s23] =	ssyncset.done $0x0  }
0xaa: {  	s25 =	simm.s32 $0x1B8E;
	s24 =	sld [smem:$0x3FFE];
	[sflag:s23] =	ssyncadd.s32 $0xFFFFFFFF  }
0xab: {  	s26 =	simm.s32 $execute0_lowered;
	[smem:$0x3FD2] =	sst s25  }
0xac: {  	s5 =	sshll.u32 s26, $0x1;
	_ =	strace $0x80000046;
	[dreg:$0x1] =	wrdreg $0xFFFFFFFF  }
0xad: {  	s28 =	simm.s32 $_size_execute0_lowered;
	s3 =	sadd.s32 s3, s5;
	[dreg:$0x0] =	wrdreg $0x0  }
0xae: {  	s5 =	sshll.u32 s28, $0x1;
	[dreg:$0x2] =	wrdreg s3  }
0xaf: {  	[dreg:$0x3] =	wrdreg s5  }
0xb0: {  	[dreg:$0x4] =	wrdreg $0xC0  }
0xb1: {  	_ =	task [dreg:s7], $0x5FFFF  }
0xb2: {  	[dreg:$0x1] =	wrdreg $0xFFFFFFFF  }
0xb3: {  	[dreg:$0x0] =	wrdreg $0x60  }
0xb4: {  	[dreg:$0x2] =	wrdreg s24  }
0xb5: {  	[dreg:$0x3] =	wrdreg s16  }
0xb6: {  	[dreg:$0x4] =	wrdreg $0x9  }
0xb7: {  	_ =	task.clear_ibuf [dreg:s7], $0x5FFFF;
	_ =	strace $0x90000046  }
0xb8: {  	s29 =	simm.s32 $0x9;
	_ =	strace $0x80000048  }
0xb9: {  	_ =	swait.ge [sflag:s29], $0x1  }
0xba: {  	[sflag:s29] =	ssyncadd.s32 $0xFFFFFFFF  }
0xbb: {  	_ =	strace $0x90000048  }
0xbc: {  	_ =	sfence  }
0xbd: {  	s30 =	sld [smem:$0x0];
	_ =	sdelay $0x2  }
0xbe: {  	s31 =	sshll.u32 s1, $0xD;
	s1 =	sshrl.u32 s1, $0x2  }
0xbf: {  	s3 =	sand.u32 $0x4000, s31;
	s1 =	sadd.s32 s1, s30  }
0xc0: {  	s0 =	sor.u32 s3, s0;
	s1 =	sshll.u32 s1, $0x11  }
0xc1: {  	s0 =	sor.u32 s1, s0  }
0xc2: {  	s0 =	sadd.s32 $0x8F2B, s0  }
0xc3: {  	[sflag:s0] =	ssyncadd.remote.s32 $0x1  }
0xc4: {  	_ =	sfence.sel $0xFFFF  }
0xc5: {  	[dreg:$0x0] =	wrdreg $0xFFFFFFFF;
	(pc) =	sbr.abs _section_cstart, $3  }
0xc6: {  	[dreg:$0x1] =	wrdreg $0xFFFFFFFF  }
0xc7: {  	_ =	task.clear_ibuf [dreg:s7], $0x2FFFF;
	_ =	strace $0x9FFFFFFF  }
0xc8: {  	(tm) =	ssettm $0x7FFFFFFF  }
0xc9: {  	_ =	shalt  }
tec
execute0_lowered:
.L_overlay_start_1:
0x0: {  	(tag) =	ssettag $0x1  }
0x1: {  	s1 =	srdreg.scid;
	s4 =	rddreg [dreg:$0x0]  }
0x2: {  	s0 =	stileid.u32;
	s5 =	rddreg [dreg:$0x1]  }
0x3: {  	s2 =	simm.s32 $0x0;
	s11 =	simm.s32 $0x280;
	s12 =	simm.s32 $0x1  }
0x4: {  	s13 =	simm.s32 $0x3280;
	s14 =	simm.s32 $0xC0;
	s15 =	simm.s32 $0x6280  }
0x5: {  	s16 =	simm.s32 $0x120;
	s17 =	simm.s32 $0x9280;
	s18 =	simm.s32 $0x180  }
0x6: {  	s19 =	simm.s32 $0xC280;
	s20 =	simm.s32 $0x1E0;
	s21 =	simm.s32 $0xF280  }
0x7: {  	s3 =	sand.u32 $0x1, s1;
	s31 =	sshll.u32 s0, $0x1;
	s1 =	rddreg [dreg:$0x2]  }
0x8: {  	s22 =	simm.s32 $0x0;
	[smem:$0x7FF] =	sst s2;
	s6 =	sor.u32 s3, s31  }
0x9: {  	s8 =	ssub.s32 $0x2, s3;
	_ =	strace $0x80000047;
	s7 =	smul.u32 $0x1200, s6  }
0xa: {  	s3 =	sadd.s32 $0x90000, s4;
	s6 =	smul.u32 $0x48, s6;
	s9 =	sshrl.u32 s8, $0x1  }
0xb: {  	s8 =	ssub.s32 s8, s9;
	s9 =	simm.s32 $0x12280;
	s10 =	sadd.s32 s7, s4  }
0xc: {  	s4 =	sadd.s32 s4, s6;
	s5 =	sadd.s32 s5, s7;
	s7 =	smax.u32 s8, $0x1  }
0xd: {  	s8 =	simm.s32 $0x2;
	s6 =	sadd.s32 $0xA00, s10;
	s10 =	simm.s32 $0x60  }
.LBB2_1:
0xe: {  	[tilespmem:s2], [sflag:$0x2] =	stream.linear.gather [hbm4b:s4+s2], $0x240, $0x38;
	[tilespmem:$0x1B280] =	vst v63  }
0xf: {  	_ =	swait.ge [sflag:s8], $0x240  }
0x10: {  	[sflag:s8] =	ssyncset.done $0x0  }
0x11: {  	[sflag:s8] =	ssyncadd.s32 $0xFFFFFDC0  }
0x12: {  	[tilespmem:s9], [sflag:$0x2] =	stream.linear.gather [hbm4b:s5+s2], $0x9000, $0x38;
	[tilespmem:$0x1B280] =	vst v63  }
0x13: {  	_ =	swait.ge [sflag:s8], $0x9000  }
0x14: {  	[sflag:s8] =	ssyncset.done $0x0  }
0x15: {  	[sflag:s8] =	ssyncadd.s32 $0xFFFF7000  }
0x16: {  	[tilespmem:s11], [sflag:$0x1] =	stream.indirect.gather [hbm4b:s3+s10], $0x80, s2, s10, $0xb8;
	[tilespmem:$0x1B280] =	vst v63  }
0x17: {  	_ =	swait.ge [sflag:s12], $0x3000  }
0x18: {  	[sflag:s12] =	ssyncset.done $0x0  }
0x19: {  	[sflag:s12] =	ssyncadd.s32 $0xFFFFD000  }
0x1a: {  	[tilespmem:s13], [sflag:$0x1] =	stream.indirect.gather [hbm4b:s3+s10], $0x80, s10, s10, $0xb8;
	[tilespmem:$0x1B280] =	vst v63  }
0x1b: {  	_ =	swait.ge [sflag:s12], $0x3000  }
0x1c: {  	[sflag:s12] =	ssyncset.done $0x0  }
0x1d: {  	[sflag:s12] =	ssyncadd.s32 $0xFFFFD000  }
0x1e: {  	[tilespmem:s15], [sflag:$0x1] =	stream.indirect.gather [hbm4b:s3+s10], $0x80, s14, s10, $0xb8;
	[tilespmem:$0x1B280] =	vst v63  }
0x1f: {  	_ =	swait.ge [sflag:s12], $0x3000  }
0x20: {  	[sflag:s12] =	ssyncset.done $0x0  }
0x21: {  	[sflag:s12] =	ssyncadd.s32 $0xFFFFD000  }
0x22: {  	[tilespmem:s17], [sflag:$0x1] =	stream.indirect.gather [hbm4b:s3+s10], $0x80, s16, s10, $0xb8;
	[tilespmem:$0x1B280] =	vst v63  }
0x23: {  	_ =	swait.ge [sflag:s12], $0x3000  }
0x24: {  	[sflag:s12] =	ssyncset.done $0x0  }
0x25: {  	s23 =	smul.u32 $0xAAAB, s2;
	[sflag:s12] =	ssyncadd.s32 $0xFFFFD000  }
0x26: {  	[tilespmem:s19], [sflag:$0x1] =	stream.indirect.gather [hbm4b:s3+s10], $0x80, s18, s10, $0xb8;
	[tilespmem:$0x1B280] =	vst v63  }
0x27: {  	_ =	swait.ge [sflag:s12], $0x3000  }
0x28: {  	s23 =	sshrl.u32 s23, $0x16;
	[sflag:s12] =	ssyncset.done $0x0  }
0x29: {  	s24 =	smul.u32 $0x60, s23;
	[sflag:s12] =	ssyncadd.s32 $0xFFFFD000  }
0x2a: {  	[tilespmem:s21], [sflag:$0x1] =	stream.indirect.gather [hbm4b:s3+s10], $0x80, s20, s10, $0xb8;
	[tilespmem:$0x1B280] =	vst v63  }
0x2b: {  	s25 =	smul.u32 $0xC000, s23;
	s24 =	ssub.s32 $0x0, s24;
	_ =	swait.ge [sflag:s12], $0x3000  }
0x2c: {  	s23 =	simm.s32 $0x122A0;
	s24 =	sshll.u32 s24, $0x7;
	[sflag:s12] =	ssyncset.done $0x0  }
0x2d: {  	s25 =	sshrl.u32 s25, $0x2;
	s24 =	sand.u32 $0xFF80, s24;
	[sflag:s12] =	ssyncadd.s32 $0xFFFFD000  }
0x2e: {  	s24 =	sadd.s32 s24, s25;
	v0 =	vld [tilespmem:s23+$0xFFFFFFE0]  }
0x2f: {  	v1 =	vld [tilespmem:s24+$0x280];
	_ =	sdelay $0x4  }
0x30: {  	v1 =	vsub.f32 v1, v0;
	_ =	sdelay $0x1  }
0x31: {  	v0 =	vadd.f32 v1, v0;
	_ =	sdelay $0x1  }
0x32: {  	[tilespmem:s23+$0xFFFFFFE0] =	vst v0;
	v0 =	vld [tilespmem:s23+$0xFFFFFFF0]  }
0x33: {  	v1 =	vld [tilespmem:s24+$0x290];
	_ =	sdelay $0x4  }
0x34: {  	v1 =	vsub.f32 v1, v0;
	_ =	sdelay $0x1  }
0x35: {  	v0 =	vadd.f32 v1, v0;
	_ =	sdelay $0x1  }
0x36: {  	[tilespmem:s23+$0xFFFFFFF0] =	vst v0;
	v0 =	vld [tilespmem:s23+$0x0]  }
0x37: {  	v1 =	vld [tilespmem:s24+$0x2A0];
	_ =	sdelay $0x4  }
0x38: {  	v1 =	vsub.f32 v1, v0;
	_ =	sdelay $0x1  }
0x39: {  	v0 =	vadd.f32 v1, v0;
	_ =	sdelay $0x1  }
0x3a: {  	[tilespmem:s23+$0x0] =	vst v0;
	v0 =	vld [tilespmem:s23+$0x10]  }
0x3b: {  	s25 =	simm.s32 $0x1;
	v1 =	vld [tilespmem:s24+$0x2B0]  }
0x3c: {  	s26 =	simm.s32 $0x2;
	s28 =	smul.u32 $0xAAAB, s25;
	s24 =	simm.s32 $0x122A0  }
.LBB2_2:
0x3d: {  	p0 =	sne.s32 s26, $0x23F  }
0x3e: {  	s28 =	sshrl.u32 s28, $0x16  }
0x3f: {  	s29 =	smul.u32 $0x60, s28  }
0x40: {  	v1 =	vsub.f32 v1, v0  }
0x41: {  	s28 =	smul.u32 $0xC000, s28;
	s29 =	ssub.s32 s25, s29;
	s25 =	smov.u32 s26  }
0x42: {  	s29 =	sshll.u32 s29, $0x7;
	v0 =	vadd.f32 v1, v0  }
0x43: {  	s23 =	sadd.s32 $0x40, s23;
	s28 =	sshrl.u32 s28, $0x2;
	s29 =	sand.u32 $0xFF80, s29  }
0x44: {  	s28 =	sadd.s32 s29, s28;
	v1 =	vld [tilespmem:s23+$0xFFFFFFE0];
	[tilespmem:s24+$0x10] =	vst v0;
	s24 =	smov.u32 s23  }
0x45: {  	v0 =	vld [tilespmem:s28+$0x280];
	_ =	sdelay $0x4  }
0x46: {  	v0 =	vsub.f32 v0, v1;
	_ =	sdelay $0x1  }
0x47: {  	v0 =	vadd.f32 v0, v1;
	_ =	sdelay $0x1  }
0x48: {  	[tilespmem:s23+$0xFFFFFFE0] =	vst v0;
	v0 =	vld [tilespmem:s23+$0xFFFFFFF0]  }
0x49: {  	v1 =	vld [tilespmem:s28+$0x290];
	_ =	sdelay $0x4  }
0x4a: {  	v1 =	vsub.f32 v1, v0;
	_ =	sdelay $0x1  }
0x4b: {  	v0 =	vadd.f32 v1, v0;
	_ =	sdelay $0x1  }
0x4c: {  	[tilespmem:s23+$0xFFFFFFF0] =	vst v0;
	v0 =	vld [tilespmem:s23+$0x0]  }
0x4d: {  	v1 =	vld [tilespmem:s28+$0x2A0];
	_ =	sdelay $0x4  }
0x4e: {  	v1 =	vsub.f32 v1, v0;
	_ =	sdelay $0x1  }
.Ltmp0:
0x4f: {  	v0 =	vadd.f32 v1, v0;
	(pc) =	sbr.rel @p0 .LBB2_2-.Ltmp0, $4  }
0x50: {  	_ = 	snop  }
0x51: {  	[tilespmem:s23+$0x0] =	vst v0;
	v0 =	vld [tilespmem:s23+$0x10]  }
0x52: {  	v1 =	vld [tilespmem:s28+$0x2B0]  }
0x53: {  	s26 =	sadd.s32 $0x1, s26;
	s28 =	smul.u32 $0xAAAB, s25  }
0x54: {  	_ = 	snop  }
0x55: {  	s26 =	sshrl.u32 s28, $0x16  }
0x56: {  	s28 =	smul.u32 $0x60, s26  }
0x57: {  	v1 =	vsub.f32 v1, v0  }
0x58: {  	s26 =	smul.u32 $0xC000, s26;
	s25 =	ssub.s32 s25, s28  }
0x59: {  	s25 =	sshll.u32 s25, $0x7;
	v0 =	vadd.f32 v1, v0  }
0x5a: {  	s23 =	sadd.s32 $0x40, s23;
	s26 =	sshrl.u32 s26, $0x2;
	s25 =	sand.u32 $0xFF80, s25  }
0x5b: {  	v57 =	vld [tilespmem:s23+$0xFFFFFFE0];
	s25 =	sadd.s32 s25, s26;
	[tilespmem:s24+$0x10] =	vst v0  }
0x5c: {  	v0 =	vld [tilespmem:s25+$0x280];
	_ =	sdelay $0x4  }
0x5d: {  	v0 =	vsub.f32 v0, v57;
	_ =	sdelay $0x1  }
0x5e: {  	v0 =	vadd.f32 v0, v57;
	_ =	sdelay $0x1  }
0x5f: {  	v58 =	vld [tilespmem:s23+$0xFFFFFFF0];
	[tilespmem:s23+$0xFFFFFFE0] =	vst v0  }
0x60: {  	v59 =	vld [tilespmem:s25+$0x290];
	_ =	sdelay $0x4  }
0x61: {  	v1 =	vsub.f32 v59, v58;
	_ =	sdelay $0x1  }
0x62: {  	v0 =	vadd.f32 v1, v58;
	_ =	sdelay $0x1  }
0x63: {  	v60 =	vld [tilespmem:s23+$0x0];
	[tilespmem:s23+$0xFFFFFFF0] =	vst v0  }
0x64: {  	v61 =	vld [tilespmem:s25+$0x2A0];
	_ =	sdelay $0x4  }
0x65: {  	v1 =	vsub.f32 v61, v60;
	_ =	sdelay $0x1  }
0x66: {  	v0 =	vadd.f32 v1, v60;
	_ =	sdelay $0x1  }
0x67: {  	v62 =	vld [tilespmem:s23+$0x10];
	[tilespmem:s23+$0x0] =	vst v0  }
0x68: {  	v63 =	vld [tilespmem:s25+$0x2B0];
	_ =	sdelay $0x4  }
0x69: {  	v1 =	vsub.f32 v63, v62;
	_ =	sdelay $0x1  }
0x6a: {  	s22 =	sadd.s32 $0x1, s22;
	v0 =	vadd.f32 v1, v62  }
0x6b: {  	p0 =	sne.s32 s22, s7  }
.Ltmp1:
0x6c: {  	[tilespmem:s23+$0x10] =	vst v0;
	(pc) =	sbr.rel @p0 .LBB2_1-.Ltmp1, $4  }
0x6d: {  	[hbm4b:s6+s2] =	stream.linear.scatter [tilespmem:s9], [sflag:$0x2], $0x9000, $0x38;
	[tilespmem:$0x1B280] =	vst v63  }
0x6e: {  	_ =	swait.ge [sflag:s8], $0x9000  }
0x6f: {  	[sflag:s8] =	ssyncset.done $0x0  }
0x70: {  	[sflag:s8] =	ssyncadd.s32 $0xFFFF7000  }
0x71: {  	_ =	sfence.sel $0x180000  }
0x72: {  	[bflag:$0x0] =	sbarrier.arrive $0xFFFF  }
0x73: {  	p0 =	sne.s32 s0, $0x0;
	_ =	strace $0x90000047  }
0x74: {  	s0 =	sadd.s32 @!p0 $0x100000, s1;
	[bflag:$0x2] =	sbarrier.arrive $0xFFFF  }
0x75: {  	[sflag:s0] =	ssyncadd.tile.s32 @!p0 $0x1;
	_ =	shalt  }
.Lfunc_end2:
_tile_overlayer_lowered:
.L_overlay_start_2:
0x76: {  	(tag) =	ssettag $0x2  }
0x77: {  	s0 =	rddreg [dreg:$0x0];
	s2 =	stileid.u32  }
0x78: {  	s1 =	rddreg [dreg:$0x1];
	p0 =	sne.s32 s2, $0x0  }
0x79: {  	s3 =	rddreg [dreg:$0x2];
	[bflag:$0x3] =	sbarrier.arrive $0xFFFF;
	s2 =	simm.s32 @!p0 $0x1C02  }
0x7a: {  	[timem:s3], [sflag:s2] =	dma.local @!p0 [hbm:s0], s1  }
0x7b: {  	s0 =	simm.s32 @!p0 $0x2  }
0x7c: {  	_ =	swait.ge @!p0 [sflag:s0], s1  }
0x7d: {  	s1 =	ssub.s32 @!p0 $0x0, s1;
	[sflag:s0] =	ssyncset.done @!p0 $0x0  }
0x7e: {  	[sflag:s0] =	ssyncadd.s32 @!p0 s1  }
0x7f: {  	[bflag:$0x3] =	sbarrier.arrive $0xFFFF  }
0x80: {  	_ =	shalt  }

</sc_bundles>
